<compile_context>
chip_gen: v7x
topology: tpu7x:2x2x1
jax: 0.10.2.dev20260603
libtpu: 0.0.44.dev20260713+nightly
codegen_flags: <defaults>
</compile_context>

<pallas_src>
import functools

import jax
import jax.numpy as jnp
from jax import lax
from jax.experimental import pallas as pl
from jax.experimental.pallas import tpu as pltpu
from jax.experimental.pallas import tpu_sc as plsc

N = 100000
G = 256
D_IN = 128
D_H = 64
H = 4
B = 2048
NPAD = 100352
NB = NPAD // B
W = 72

NTILES = 32
C = NPAD // NTILES


def _window(seg_ref):
    g0 = jnp.minimum(jnp.minimum(seg_ref[0, 0, 0], G - 1) & ~7, G - W)
    span_ok = (seg_ref[0, 0, B - 1] - g0) < W
    return g0, span_ok


def _ohT(seg_row, g0, width):
    return (lax.broadcasted_iota(jnp.int32, (width, B), 0) + g0
            == seg_row).astype(jnp.float32)


def _k1_body(h_ref, w1t_ref, b1_ref, w2t_ref, gmb_ref, e_ref):
    i = pl.program_id(0)
    z = jnp.tanh(jnp.dot(h_ref[...], w1t_ref[...],
                         preferred_element_type=jnp.float32) + b1_ref[...])
    st = lax.dot_general(w2t_ref[...], z, (((0,), (1,)), ((), ())),
                         preferred_element_type=jnp.float32)
    col = lax.broadcasted_iota(jnp.int32, (H, B), 1) + i * B
    e_ref[...] = jnp.where(col < N, jnp.exp(st - gmb_ref[...]),
                           0.0).reshape(1, H, B)


def _sc_body(e0_hbm, e1_hbm, e2_hbm, e3_hbm, seg_hbm, w_hbm,
             est, seg_s, ec0, ec1, ec2, ec3, seg_c, dv0, dv1, dv2, dv3,
             wv, zbuf, acc0, acc1, acc2, acc3):
    ehs = [e0_hbm, e1_hbm, e2_hbm, e3_hbm]
    ec = [ec0, ec1, ec2, ec3]
    dv = [dv0, dv1, dv2, dv3]
    c = lax.axis_index("c")
    s = lax.axis_index("s")
    acc = [acc0, acc1, acc2, acc3]

    @pl.when(s == 0)
    def _():
        for j in range((G + 8) // 16):
            zbuf[pl.ds(j * 16, 16)] = jnp.zeros((16,), jnp.float32)
        for hh in range(H):
            pltpu.sync_copy(zbuf, acc[hh])

    plsc.subcore_barrier()

    for k in range(2):
        base = (s + 16 * k) * C
        pltpu.sync_copy(seg_hbm.at[pl.ds(base, C)], seg_s)
        for hh in range(H):
            pltpu.sync_copy(ehs[hh].at[pl.ds(base, C)], est)
            pltpu.sync_copy(est, acc[hh].at[seg_s], add=True)

    plsc.subcore_barrier()

    base2 = (s + 16 * c) * C
    pltpu.sync_copy(seg_hbm.at[pl.ds(base2, C)], seg_c)
    for hh in range(H):
        pltpu.sync_copy(ehs[hh].at[pl.ds(base2, C)], ec[hh])
        pltpu.sync_copy(acc[hh].at[seg_c], dv[hh])

    def body(j, _):
        sl = pl.ds(j * 16, 16)
        w16 = jnp.zeros((16,), jnp.float32)
        for hh in range(H):
            w16 = w16 + ec[hh][sl] / (dv[hh][sl] + 1e-12)
        wv[sl] = w16 * (1.0 / H)
        return 0

    lax.fori_loop(0, C // 16, body, 0)
    pltpu.sync_copy(wv, w_hbm.at[pl.ds(base2, C)])


def _k2_body(h_ref, w_ref, seg_ref, out_ref, pool_s):
    i = pl.program_id(0)
    seg_row = seg_ref[0, :, :]
    w_row = w_ref[0, :, :]
    g0, span_ok = _window(seg_ref)
    row = lax.broadcasted_iota(jnp.int32, (B, 1), 0) + i * B
    hb = jnp.where(row < N, h_ref[...], 0.0).astype(jnp.bfloat16)

    @pl.when(i == 0)
    def _():
        pool_s[...] = jnp.zeros((G, D_IN), jnp.float32)

    @pl.when(span_ok)
    def _():
        ohTw = _ohT(seg_row, g0, W).astype(jnp.bfloat16) \
            * w_row.astype(jnp.bfloat16)
        pool_s[pl.ds(g0, W), :] += lax.dot_general(
            ohTw, hb, (((1,), (0,)), ((), ())),
            preferred_element_type=jnp.float32)

    @pl.when(jnp.logical_not(span_ok))
    def _():
        ohTw = _ohT(seg_row, 0, G).astype(jnp.bfloat16) \
            * w_row.astype(jnp.bfloat16)
        pool_s[...] += lax.dot_general(
            ohTw, hb, (((1,), (0,)), ((), ())),
            preferred_element_type=jnp.float32)

    @pl.when(i == NB - 1)
    def _():
        out_ref[...] = pool_s[...]


def kernel(h, segment_ids, fc1_w, fc1_b, fc2_w, fc2_b):
    seg = segment_ids.astype(jnp.int32)
    segp = jnp.pad(seg, (0, NPAD - N), constant_values=G)
    seg3d = segp.reshape(NB, 1, B)
    w1t = fc1_w.T
    w2t = fc2_w.T
    b1 = fc1_b.reshape(1, D_H)
    gmb = jnp.sum(jnp.abs(fc2_w), axis=1).reshape(H, 1)

    e = pl.pallas_call(
        _k1_body,
        grid=(NB,),
        in_specs=[
            pl.BlockSpec((B, D_IN), lambda i: (i, 0)),
            pl.BlockSpec((D_IN, D_H), lambda i: (0, 0)),
            pl.BlockSpec((1, D_H), lambda i: (0, 0)),
            pl.BlockSpec((D_H, H), lambda i: (0, 0)),
            pl.BlockSpec((H, 1), lambda i: (0, 0)),
        ],
        out_specs=pl.BlockSpec((1, H, B), lambda i: (i, 0, 0)),
        out_shape=jax.ShapeDtypeStruct((NB, H, B), jnp.float32),
    )(h, w1t, b1, w2t, gmb)

    ehead = [e[:, hh, :].reshape(NPAD) for hh in range(H)]

    mesh = plsc.VectorSubcoreMesh(core_axis_name="c", subcore_axis_name="s")
    sc = functools.partial(
        pl.kernel,
        mesh=mesh,
        out_type=jax.ShapeDtypeStruct((NPAD,), jnp.float32),
        scratch_types=[
            pltpu.VMEM((C,), jnp.float32),
            pltpu.VMEM((C,), jnp.int32),
            pltpu.VMEM((C,), jnp.float32),
            pltpu.VMEM((C,), jnp.float32),
            pltpu.VMEM((C,), jnp.float32),
            pltpu.VMEM((C,), jnp.float32),
            pltpu.VMEM((C,), jnp.int32),
            pltpu.VMEM((C,), jnp.float32),
            pltpu.VMEM((C,), jnp.float32),
            pltpu.VMEM((C,), jnp.float32),
            pltpu.VMEM((C,), jnp.float32),
            pltpu.VMEM((C,), jnp.float32),
            pltpu.VMEM((G + 8,), jnp.float32),
            pltpu.VMEM_SHARED((G + 8,), jnp.float32),
            pltpu.VMEM_SHARED((G + 8,), jnp.float32),
            pltpu.VMEM_SHARED((G + 8,), jnp.float32),
            pltpu.VMEM_SHARED((G + 8,), jnp.float32),
        ],
    )(_sc_body)
    w = sc(*ehead, segp)

    w3d = w.reshape(NB, 1, B)
    out = pl.pallas_call(
        _k2_body,
        grid=(NB,),
        in_specs=[
            pl.BlockSpec((B, D_IN), lambda i: (i, 0)),
            pl.BlockSpec((1, 1, B), lambda i: (i, 0, 0)),
            pl.BlockSpec((1, 1, B), lambda i: (i, 0, 0)),
        ],
        out_specs=pl.BlockSpec((G, D_IN), lambda i: (0, 0)),
        out_shape=jax.ShapeDtypeStruct((G, D_IN), jnp.float32),
        scratch_shapes=[pltpu.VMEM((G, D_IN), jnp.float32)],
    )(h, w3d, seg3d)

    return out

# --- scband reference (transcript-rebuilt; emitter-appended) ---
"""Pipeline reference for scband-attn-pooling-14078902797024 (READ-ONLY COPY).

The authoritative reference and input builder live on the scoring server;
editing this copy changes nothing except your own understanding.
"""

import jax, jax.numpy as jnp
import numpy as np

NUM_NODES = 100000
NUM_GRAPHS = 256
IN_FEATURES = 128
DENSE_FEATURES = 64
N_HEADS = 4


def setup_inputs(seed: int = 0) -> dict:
    key = jax.random.key(seed)
    k1, k2, k3, k4 = jax.random.split(key, 4)
    h = jax.random.normal(k1, (NUM_NODES, IN_FEATURES), dtype=jnp.float32)
    segment_ids = jnp.sort(jax.random.randint(k2, (NUM_NODES,), 0, NUM_GRAPHS)).astype(jnp.int64)
    fc1_w = jax.random.normal(k3, (DENSE_FEATURES, IN_FEATURES), dtype=jnp.float32) * (1.0 / np.sqrt(IN_FEATURES))
    fc1_b = jnp.zeros((DENSE_FEATURES,), dtype=jnp.float32)
    fc2_w = jax.random.normal(k4, (N_HEADS, DENSE_FEATURES), dtype=jnp.float32) * (1.0 / np.sqrt(DENSE_FEATURES))
    fc2_b = jnp.zeros((N_HEADS,), dtype=jnp.float32)
    return {"h": h, "segment_ids": segment_ids, "fc1_w": fc1_w, "fc1_b": fc1_b, "fc2_w": fc2_w, "fc2_b": fc2_b}


def reference(h, segment_ids, fc1_w, fc1_b, fc2_w, fc2_b):
    G = NUM_GRAPHS
    # fc1 + tanh
    heads = jnp.tanh(h @ fc1_w.T + fc1_b)  # [N, dense_features]
    # fc2 -> per-head attention scores
    scores = heads @ fc2_w.T + fc2_b  # [N, n_heads]
    # dgl.softmax_nodes: softmax over nodes within each graph, per head
    seg_max = jax.ops.segment_max(scores, segment_ids, num_segments=G)  # [G, H]
    seg_max = jnp.where(jnp.isfinite(seg_max), seg_max, 0.0)
    exp_s = jnp.exp(scores - seg_max[segment_ids])  # [N, H]
    seg_sum = jax.ops.segment_sum(exp_s, segment_ids, num_segments=G)  # [G, H]
    attn = exp_s / (seg_sum[segment_ids] + 1e-12)  # [N, H]
    # dgl.sum_nodes with per-head weights, then mean over heads
    result = []
    for i in range(N_HEADS):
        w = attn[:, i:i + 1]  # [N, 1]
        pooled = jax.ops.segment_sum(h * w, segment_ids, num_segments=G)  # [G, d]
        result.append(pooled)
    output = jnp.mean(jnp.stack(result, axis=0), axis=0)  # [G, d]
    return output

if __name__ == "__main__":
    import jax
    _d = setup_inputs()
    print(jax.jit(kernel)(*tuple(_d.values())))

</pallas_src>

<mosaic_0001>
#map = affine_map<(d0, d1) -> (0)>
module attributes {stable_mosaic.version = 14 : i64} {
  func.func @_sc_body(%arg0: i32, %arg1: i32, %arg2: memref<100352xf32, #tpu.memory_space<hbm>>, %arg3: memref<100352xf32, #tpu.memory_space<hbm>>, %arg4: memref<100352xf32, #tpu.memory_space<hbm>>, %arg5: memref<100352xf32, #tpu.memory_space<hbm>>, %arg6: memref<100352xi32, #tpu.memory_space<hbm>>, %arg7: memref<100352xf32, #tpu.memory_space<hbm>>, %arg8: memref<3136xf32, #tpu.memory_space<vmem>>, %arg9: memref<3136xi32, #tpu.memory_space<vmem>>, %arg10: memref<3136xf32, #tpu.memory_space<vmem>>, %arg11: memref<3136xf32, #tpu.memory_space<vmem>>, %arg12: memref<3136xf32, #tpu.memory_space<vmem>>, %arg13: memref<3136xf32, #tpu.memory_space<vmem>>, %arg14: memref<3136xi32, #tpu.memory_space<vmem>>, %arg15: memref<3136xf32, #tpu.memory_space<vmem>>, %arg16: memref<3136xf32, #tpu.memory_space<vmem>>, %arg17: memref<3136xf32, #tpu.memory_space<vmem>>, %arg18: memref<3136xf32, #tpu.memory_space<vmem>>, %arg19: memref<3136xf32, #tpu.memory_space<vmem>>, %arg20: memref<264xf32, #tpu.memory_space<vmem>>, %arg21: memref<264xf32, #tpu.memory_space<vmem_shared>>, %arg22: memref<264xf32, #tpu.memory_space<vmem_shared>>, %arg23: memref<264xf32, #tpu.memory_space<vmem_shared>>, %arg24: memref<264xf32, #tpu.memory_space<vmem_shared>>) attributes {dimension_semantics = [#tpu.dimension_semantics<core_parallel>, #tpu.dimension_semantics<subcore_parallel>], iteration_bounds = array<i64: 2, 16>, scalar_prefetch = 0 : i64, scratch_operands = 17 : i64, tpu.core_type = #tpu.core_type<sc_vector_subcore>, window_params = [{transform_indices = #map}, {transform_indices = #map}, {transform_indices = #map}, {transform_indices = #map}, {transform_indices = #map}, {transform_indices = #map}]} {
    %eq3A = arith.constant 0 : i32
    %eq3A_0 = arith.cmpi eq, %arg1, %eq3A : i32
    %convert_element_type3A = arith.extui %eq3A_0 : i1 to i32
    %cond3A = arith.constant 0 : i32
    %cond3A_1 = arith.cmpi ne, %convert_element_type3A, %cond3A : i32
    scf.if %cond3A_1 {
      %broadcast_in_dim3A = arith.constant 0.000000e+00 : f32
      %broadcast_in_dim3A_20 = vector.broadcast %broadcast_in_dim3A : f32 to vector<16xf32>
      %swap3A = arith.constant 0 : index
      %swap3A_21 = tpu.vector_load %arg20[%swap3A] {strides = array<i32>} : memref<264xf32, #tpu.memory_space<vmem>>, vector<16xf32>,
      %swap3A_22 = vector.shape_cast %swap3A_21 : vector<16xf32> to vector<16xf32>
      %swap3A_23 = vector.shape_cast %broadcast_in_dim3A_20 : vector<16xf32> to vector<16xf32>
      tpu.vector_store %arg20[%swap3A], %swap3A_23 {strides = array<i32>} : memref<264xf32, #tpu.memory_space<vmem>>, vector<16xf32>,
      %broadcast_in_dim3A_24 = arith.constant 0.000000e+00 : f32
      %broadcast_in_dim3A_25 = vector.broadcast %broadcast_in_dim3A_24 : f32 to vector<16xf32>
      %swap3A_26 = arith.constant 16 : index
      %swap3A_27 = tpu.vector_load %arg20[%swap3A_26] {strides = array<i32>} : memref<264xf32, #tpu.memory_space<vmem>>, vector<16xf32>,
      %swap3A_28 = vector.shape_cast %swap3A_27 : vector<16xf32> to vector<16xf32>
      %swap3A_29 = vector.shape_cast %broadcast_in_dim3A_25 : vector<16xf32> to vector<16xf32>
      tpu.vector_store %arg20[%swap3A_26], %swap3A_29 {strides = array<i32>} : memref<264xf32, #tpu.memory_space<vmem>>, vector<16xf32>,
      %broadcast_in_dim3A_30 = arith.constant 0.000000e+00 : f32
      %broadcast_in_dim3A_31 = vector.broadcast %broadcast_in_dim3A_30 : f32 to vector<16xf32>
      %swap3A_32 = arith.constant 32 : index
      %swap3A_33 = tpu.vector_load %arg20[%swap3A_32] {strides = array<i32>} : memref<264xf32, #tpu.memory_space<vmem>>, vector<16xf32>,
      %swap3A_34 = vector.shape_cast %swap3A_33 : vector<16xf32> to vector<16xf32>
      %swap3A_35 = vector.shape_cast %broadcast_in_dim3A_31 : vector<16xf32> to vector<16xf32>
      tpu.vector_store %arg20[%swap3A_32], %swap3A_35 {strides = array<i32>} : memref<264xf32, #tpu.memory_space<vmem>>, vector<16xf32>,
      %broadcast_in_dim3A_36 = arith.constant 0.000000e+00 : f32
      %broadcast_in_dim3A_37 = vector.broadcast %broadcast_in_dim3A_36 : f32 to vector<16xf32>
      %swap3A_38 = arith.constant 48 : index
      %swap3A_39 = tpu.vector_load %arg20[%swap3A_38] {strides = array<i32>} : memref<264xf32, #tpu.memory_space<vmem>>, vector<16xf32>,
      %swap3A_40 = vector.shape_cast %swap3A_39 : vector<16xf32> to vector<16xf32>
      %swap3A_41 = vector.shape_cast %broadcast_in_dim3A_37 : vector<16xf32> to vector<16xf32>
      tpu.vector_store %arg20[%swap3A_38], %swap3A_41 {strides = array<i32>} : memref<264xf32, #tpu.memory_space<vmem>>, vector<16xf32>,
      %broadcast_in_dim3A_42 = arith.constant 0.000000e+00 : f32
      %broadcast_in_dim3A_43 = vector.broadcast %broadcast_in_dim3A_42 : f32 to vector<16xf32>
      %swap3A_44 = arith.constant 64 : index
      %swap3A_45 = tpu.vector_load %arg20[%swap3A_44] {strides = array<i32>} : memref<264xf32, #tpu.memory_space<vmem>>, vector<16xf32>,
      %swap3A_46 = vector.shape_cast %swap3A_45 : vector<16xf32> to vector<16xf32>
      %swap3A_47 = vector.shape_cast %broadcast_in_dim3A_43 : vector<16xf32> to vector<16xf32>
      tpu.vector_store %arg20[%swap3A_44], %swap3A_47 {strides = array<i32>} : memref<264xf32, #tpu.memory_space<vmem>>, vector<16xf32>,
      %broadcast_in_dim3A_48 = arith.constant 0.000000e+00 : f32
      %broadcast_in_dim3A_49 = vector.broadcast %broadcast_in_dim3A_48 : f32 to vector<16xf32>
      %swap3A_50 = arith.constant 80 : index
      %swap3A_51 = tpu.vector_load %arg20[%swap3A_50] {strides = array<i32>} : memref<264xf32, #tpu.memory_space<vmem>>, vector<16xf32>,
      %swap3A_52 = vector.shape_cast %swap3A_51 : vector<16xf32> to vector<16xf32>
      %swap3A_53 = vector.shape_cast %broadcast_in_dim3A_49 : vector<16xf32> to vector<16xf32>
      tpu.vector_store %arg20[%swap3A_50], %swap3A_53 {strides = array<i32>} : memref<264xf32, #tpu.memory_space<vmem>>, vector<16xf32>,
      %broadcast_in_dim3A_54 = arith.constant 0.000000e+00 : f32
      %broadcast_in_dim3A_55 = vector.broadcast %broadcast_in_dim3A_54 : f32 to vector<16xf32>
      %swap3A_56 = arith.constant 96 : index
      %swap3A_57 = tpu.vector_load %arg20[%swap3A_56] {strides = array<i32>} : memref<264xf32, #tpu.memory_space<vmem>>, vector<16xf32>,
      %swap3A_58 = vector.shape_cast %swap3A_57 : vector<16xf32> to vector<16xf32>
      %swap3A_59 = vector.shape_cast %broadcast_in_dim3A_55 : vector<16xf32> to vector<16xf32>
      tpu.vector_store %arg20[%swap3A_56], %swap3A_59 {strides = array<i32>} : memref<264xf32, #tpu.memory_space<vmem>>, vector<16xf32>,
      %broadcast_in_dim3A_60 = arith.constant 0.000000e+00 : f32
      %broadcast_in_dim3A_61 = vector.broadcast %broadcast_in_dim3A_60 : f32 to vector<16xf32>
      %swap3A_62 = arith.constant 112 : index
      %swap3A_63 = tpu.vector_load %arg20[%swap3A_62] {strides = array<i32>} : memref<264xf32, #tpu.memory_space<vmem>>, vector<16xf32>,
      %swap3A_64 = vector.shape_cast %swap3A_63 : vector<16xf32> to vector<16xf32>
      %swap3A_65 = vector.shape_cast %broadcast_in_dim3A_61 : vector<16xf32> to vector<16xf32>
      tpu.vector_store %arg20[%swap3A_62], %swap3A_65 {strides = array<i32>} : memref<264xf32, #tpu.memory_space<vmem>>, vector<16xf32>,
      %broadcast_in_dim3A_66 = arith.constant 0.000000e+00 : f32
      %broadcast_in_dim3A_67 = vector.broadcast %broadcast_in_dim3A_66 : f32 to vector<16xf32>
      %swap3A_68 = arith.constant 128 : index
      %swap3A_69 = tpu.vector_load %arg20[%swap3A_68] {strides = array<i32>} : memref<264xf32, #tpu.memory_space<vmem>>, vector<16xf32>,
      %swap3A_70 = vector.shape_cast %swap3A_69 : vector<16xf32> to vector<16xf32>
      %swap3A_71 = vector.shape_cast %broadcast_in_dim3A_67 : vector<16xf32> to vector<16xf32>
      tpu.vector_store %arg20[%swap3A_68], %swap3A_71 {strides = array<i32>} : memref<264xf32, #tpu.memory_space<vmem>>, vector<16xf32>,
      %broadcast_in_dim3A_72 = arith.constant 0.000000e+00 : f32
      %broadcast_in_dim3A_73 = vector.broadcast %broadcast_in_dim3A_72 : f32 to vector<16xf32>
      %swap3A_74 = arith.constant 144 : index
      %swap3A_75 = tpu.vector_load %arg20[%swap3A_74] {strides = array<i32>} : memref<264xf32, #tpu.memory_space<vmem>>, vector<16xf32>,
      %swap3A_76 = vector.shape_cast %swap3A_75 : vector<16xf32> to vector<16xf32>
      %swap3A_77 = vector.shape_cast %broadcast_in_dim3A_73 : vector<16xf32> to vector<16xf32>
      tpu.vector_store %arg20[%swap3A_74], %swap3A_77 {strides = array<i32>} : memref<264xf32, #tpu.memory_space<vmem>>, vector<16xf32>,
      %broadcast_in_dim3A_78 = arith.constant 0.000000e+00 : f32
      %broadcast_in_dim3A_79 = vector.broadcast %broadcast_in_dim3A_78 : f32 to vector<16xf32>
      %swap3A_80 = arith.constant 160 : index
      %swap3A_81 = tpu.vector_load %arg20[%swap3A_80] {strides = array<i32>} : memref<264xf32, #tpu.memory_space<vmem>>, vector<16xf32>,
      %swap3A_82 = vector.shape_cast %swap3A_81 : vector<16xf32> to vector<16xf32>
      %swap3A_83 = vector.shape_cast %broadcast_in_dim3A_79 : vector<16xf32> to vector<16xf32>
      tpu.vector_store %arg20[%swap3A_80], %swap3A_83 {strides = array<i32>} : memref<264xf32, #tpu.memory_space<vmem>>, vector<16xf32>,
      %broadcast_in_dim3A_84 = arith.constant 0.000000e+00 : f32
      %broadcast_in_dim3A_85 = vector.broadcast %broadcast_in_dim3A_84 : f32 to vector<16xf32>
      %swap3A_86 = arith.constant 176 : index
      %swap3A_87 = tpu.vector_load %arg20[%swap3A_86] {strides = array<i32>} : memref<264xf32, #tpu.memory_space<vmem>>, vector<16xf32>,
      %swap3A_88 = vector.shape_cast %swap3A_87 : vector<16xf32> to vector<16xf32>
      %swap3A_89 = vector.shape_cast %broadcast_in_dim3A_85 : vector<16xf32> to vector<16xf32>
      tpu.vector_store %arg20[%swap3A_86], %swap3A_89 {strides = array<i32>} : memref<264xf32, #tpu.memory_space<vmem>>, vector<16xf32>,
      %broadcast_in_dim3A_90 = arith.constant 0.000000e+00 : f32
      %broadcast_in_dim3A_91 = vector.broadcast %broadcast_in_dim3A_90 : f32 to vector<16xf32>
      %swap3A_92 = arith.constant 192 : index
      %swap3A_93 = tpu.vector_load %arg20[%swap3A_92] {strides = array<i32>} : memref<264xf32, #tpu.memory_space<vmem>>, vector<16xf32>,
      %swap3A_94 = vector.shape_cast %swap3A_93 : vector<16xf32> to vector<16xf32>
      %swap3A_95 = vector.shape_cast %broadcast_in_dim3A_91 : vector<16xf32> to vector<16xf32>
      tpu.vector_store %arg20[%swap3A_92], %swap3A_95 {strides = array<i32>} : memref<264xf32, #tpu.memory_space<vmem>>, vector<16xf32>,
      %broadcast_in_dim3A_96 = arith.constant 0.000000e+00 : f32
      %broadcast_in_dim3A_97 = vector.broadcast %broadcast_in_dim3A_96 : f32 to vector<16xf32>
      %swap3A_98 = arith.constant 208 : index
      %swap3A_99 = tpu.vector_load %arg20[%swap3A_98] {strides = array<i32>} : memref<264xf32, #tpu.memory_space<vmem>>, vector<16xf32>,
      %swap3A_100 = vector.shape_cast %swap3A_99 : vector<16xf32> to vector<16xf32>
      %swap3A_101 = vector.shape_cast %broadcast_in_dim3A_97 : vector<16xf32> to vector<16xf32>
      tpu.vector_store %arg20[%swap3A_98], %swap3A_101 {strides = array<i32>} : memref<264xf32, #tpu.memory_space<vmem>>, vector<16xf32>,
      %broadcast_in_dim3A_102 = arith.constant 0.000000e+00 : f32
      %broadcast_in_dim3A_103 = vector.broadcast %broadcast_in_dim3A_102 : f32 to vector<16xf32>
      %swap3A_104 = arith.constant 224 : index
      %swap3A_105 = tpu.vector_load %arg20[%swap3A_104] {strides = array<i32>} : memref<264xf32, #tpu.memory_space<vmem>>, vector<16xf32>,
      %swap3A_106 = vector.shape_cast %swap3A_105 : vector<16xf32> to vector<16xf32>
      %swap3A_107 = vector.shape_cast %broadcast_in_dim3A_103 : vector<16xf32> to vector<16xf32>
      tpu.vector_store %arg20[%swap3A_104], %swap3A_107 {strides = array<i32>} : memref<264xf32, #tpu.memory_space<vmem>>, vector<16xf32>,
      %broadcast_in_dim3A_108 = arith.constant 0.000000e+00 : f32
      %broadcast_in_dim3A_109 = vector.broadcast %broadcast_in_dim3A_108 : f32 to vector<16xf32>
      %swap3A_110 = arith.constant 240 : index
      %swap3A_111 = tpu.vector_load %arg20[%swap3A_110] {strides = array<i32>} : memref<264xf32, #tpu.memory_space<vmem>>, vector<16xf32>,
      %swap3A_112 = vector.shape_cast %swap3A_111 : vector<16xf32> to vector<16xf32>
      %swap3A_113 = vector.shape_cast %broadcast_in_dim3A_109 : vector<16xf32> to vector<16xf32>
      tpu.vector_store %arg20[%swap3A_110], %swap3A_113 {strides = array<i32>} : memref<264xf32, #tpu.memory_space<vmem>>, vector<16xf32>,
      "tpu.region"() ({
        %run_scoped3A = tpu.sem_alloc : memref<!tpu.dma_semaphore, #tpu.memory_space<semaphore_mem>>
        tpu.enqueue_dma source(%arg20 : memref<264xf32, #tpu.memory_space<vmem>>) target(%arg21 : memref<264xf32, #tpu.memory_space<vmem_shared>>) target_semaphore(%run_scoped3A : memref<!tpu.dma_semaphore, #tpu.memory_space<semaphore_mem>>)
        tpu.wait_dma2 semaphore(%run_scoped3A : memref<!tpu.dma_semaphore, #tpu.memory_space<semaphore_mem>>) src(%arg20 : memref<264xf32, #tpu.memory_space<vmem>>) dst(%arg21 : memref<264xf32, #tpu.memory_space<vmem_shared>>)
        tpu.yield
      }) : () -> ()
      "tpu.region"() ({
        %run_scoped3A = tpu.sem_alloc : memref<!tpu.dma_semaphore, #tpu.memory_space<semaphore_mem>>
        tpu.enqueue_dma source(%arg20 : memref<264xf32, #tpu.memory_space<vmem>>) target(%arg22 : memref<264xf32, #tpu.memory_space<vmem_shared>>) target_semaphore(%run_scoped3A : memref<!tpu.dma_semaphore, #tpu.memory_space<semaphore_mem>>)
        tpu.wait_dma2 semaphore(%run_scoped3A : memref<!tpu.dma_semaphore, #tpu.memory_space<semaphore_mem>>) src(%arg20 : memref<264xf32, #tpu.memory_space<vmem>>) dst(%arg22 : memref<264xf32, #tpu.memory_space<vmem_shared>>)
        tpu.yield
      }) : () -> ()
      "tpu.region"() ({
        %run_scoped3A = tpu.sem_alloc : memref<!tpu.dma_semaphore, #tpu.memory_space<semaphore_mem>>
        tpu.enqueue_dma source(%arg20 : memref<264xf32, #tpu.memory_space<vmem>>) target(%arg23 : memref<264xf32, #tpu.memory_space<vmem_shared>>) target_semaphore(%run_scoped3A : memref<!tpu.dma_semaphore, #tpu.memory_space<semaphore_mem>>)
        tpu.wait_dma2 semaphore(%run_scoped3A : memref<!tpu.dma_semaphore, #tpu.memory_space<semaphore_mem>>) src(%arg20 : memref<264xf32, #tpu.memory_space<vmem>>) dst(%arg23 : memref<264xf32, #tpu.memory_space<vmem_shared>>)
        tpu.yield
      }) : () -> ()
      "tpu.region"() ({
        %run_scoped3A = tpu.sem_alloc : memref<!tpu.dma_semaphore, #tpu.memory_space<semaphore_mem>>
        tpu.enqueue_dma source(%arg20 : memref<264xf32, #tpu.memory_space<vmem>>) target(%arg24 : memref<264xf32, #tpu.memory_space<vmem_shared>>) target_semaphore(%run_scoped3A : memref<!tpu.dma_semaphore, #tpu.memory_space<semaphore_mem>>)
        tpu.wait_dma2 semaphore(%run_scoped3A : memref<!tpu.dma_semaphore, #tpu.memory_space<semaphore_mem>>) src(%arg20 : memref<264xf32, #tpu.memory_space<vmem>>) dst(%arg24 : memref<264xf32, #tpu.memory_space<vmem_shared>>)
        tpu.yield
      }) : () -> ()
    } else {
    }
    %barrier3A = arith.constant 0 : index
    tpu.barrier barrier_id(%barrier3A)
    %add3A = arith.constant 0 : i32
    %add3A_2 = arith.addi %arg1, %add3A : i32
    %mul3A = arith.constant 3136 : i32
    %mul3A_3 = arith.muli %add3A_2, %mul3A : i32
    "tpu.region"() ({
      %run_scoped3A = tpu.sem_alloc : memref<!tpu.dma_semaphore, #tpu.memory_space<semaphore_mem>>
      %dma_start3A = tpu.memref_slice %arg6[%mul3A_3] : memref<100352xi32, #tpu.memory_space<hbm>> -> memref<3136xi32, #tpu.memory_space<hbm>>
      %dma_start3A_20 = tpu.memref_slice %arg6[%mul3A_3] : memref<100352xi32, #tpu.memory_space<hbm>> -> memref<3136xi32, #tpu.memory_space<hbm>>
      tpu.enqueue_dma source(%dma_start3A_20 : memref<3136xi32, #tpu.memory_space<hbm>>) target(%arg9 : memref<3136xi32, #tpu.memory_space<vmem>>) target_semaphore(%run_scoped3A : memref<!tpu.dma_semaphore, #tpu.memory_space<semaphore_mem>>)
      %dma_wait3A = tpu.memref_slice %arg6[%mul3A_3] : memref<100352xi32, #tpu.memory_space<hbm>> -> memref<3136xi32, #tpu.memory_space<hbm>>
      %dma_wait3A_21 = tpu.memref_slice %arg6[%mul3A_3] : memref<100352xi32, #tpu.memory_space<hbm>> -> memref<3136xi32, #tpu.memory_space<hbm>>
      tpu.wait_dma2 semaphore(%run_scoped3A : memref<!tpu.dma_semaphore, #tpu.memory_space<semaphore_mem>>) src(%dma_wait3A_21 : memref<3136xi32, #tpu.memory_space<hbm>>) dst(%arg9 : memref<3136xi32, #tpu.memory_space<vmem>>)
      tpu.yield
    }) : () -> ()
    "tpu.region"() ({
      %run_scoped3A = tpu.sem_alloc : memref<!tpu.dma_semaphore, #tpu.memory_space<semaphore_mem>>
      %dma_start3A = tpu.memref_slice %arg2[%mul3A_3] : memref<100352xf32, #tpu.memory_space<hbm>> -> memref<3136xf32, #tpu.memory_space<hbm>>
      %dma_start3A_20 = tpu.memref_slice %arg2[%mul3A_3] : memref<100352xf32, #tpu.memory_space<hbm>> -> memref<3136xf32, #tpu.memory_space<hbm>>
      tpu.enqueue_dma source(%dma_start3A_20 : memref<3136xf32, #tpu.memory_space<hbm>>) target(%arg8 : memref<3136xf32, #tpu.memory_space<vmem>>) target_semaphore(%run_scoped3A : memref<!tpu.dma_semaphore, #tpu.memory_space<semaphore_mem>>)
      %dma_wait3A = tpu.memref_slice %arg2[%mul3A_3] : memref<100352xf32, #tpu.memory_space<hbm>> -> memref<3136xf32, #tpu.memory_space<hbm>>
      %dma_wait3A_21 = tpu.memref_slice %arg2[%mul3A_3] : memref<100352xf32, #tpu.memory_space<hbm>> -> memref<3136xf32, #tpu.memory_space<hbm>>
      tpu.wait_dma2 semaphore(%run_scoped3A : memref<!tpu.dma_semaphore, #tpu.memory_space<semaphore_mem>>) src(%dma_wait3A_21 : memref<3136xf32, #tpu.memory_space<hbm>>) dst(%arg8 : memref<3136xf32, #tpu.memory_space<vmem>>)
      tpu.yield
    }) : () -> ()
    "tpu.region"() ({
      %run_scoped3A = tpu.sem_alloc : memref<!tpu.dma_semaphore, #tpu.memory_space<semaphore_mem>>
      %dma_start3A = arith.constant 0 : i32
      %dma_start3A_20 = tpu.memref_slice %arg21[%dma_start3A] : memref<264xf32, #tpu.memory_space<vmem_shared>> -> memref<264xf32, #tpu.memory_space<vmem_shared>>
      tpu.enqueue_indirect_dma source(%arg8 : memref<3136xf32, #tpu.memory_space<vmem>>) target(%dma_start3A_20 : memref<264xf32, #tpu.memory_space<vmem_shared>>) offsets(%arg9 : memref<3136xi32, #tpu.memory_space<vmem>>) semaphore(%run_scoped3A : memref<!tpu.dma_semaphore, #tpu.memory_space<semaphore_mem>>) {add = true}
      %dma_wait3A = arith.constant 0 : i32
      %dma_wait3A_21 = tpu.memref_slice %arg21[%dma_wait3A] : memref<264xf32, #tpu.memory_space<vmem_shared>> -> memref<264xf32, #tpu.memory_space<vmem_shared>>
      tpu.wait_indirect_dma semaphore(%run_scoped3A : memref<!tpu.dma_semaphore, #tpu.memory_space<semaphore_mem>>) src(%arg8 : memref<3136xf32, #tpu.memory_space<vmem>>) dst(%dma_wait3A_21 : memref<264xf32, #tpu.memory_space<vmem_shared>>)
      tpu.yield
    }) : () -> ()
    "tpu.region"() ({
      %run_scoped3A = tpu.sem_alloc : memref<!tpu.dma_semaphore, #tpu.memory_space<semaphore_mem>>
      %dma_start3A = tpu.memref_slice %arg3[%mul3A_3] : memref<100352xf32, #tpu.memory_space<hbm>> -> memref<3136xf32, #tpu.memory_space<hbm>>
      %dma_start3A_20 = tpu.memref_slice %arg3[%mul3A_3] : memref<100352xf32, #tpu.memory_space<hbm>> -> memref<3136xf32, #tpu.memory_space<hbm>>
      tpu.enqueue_dma source(%dma_start3A_20 : memref<3136xf32, #tpu.memory_space<hbm>>) target(%arg8 : memref<3136xf32, #tpu.memory_space<vmem>>) target_semaphore(%run_scoped3A : memref<!tpu.dma_semaphore, #tpu.memory_space<semaphore_mem>>)
      %dma_wait3A = tpu.memref_slice %arg3[%mul3A_3] : memref<100352xf32, #tpu.memory_space<hbm>> -> memref<3136xf32, #tpu.memory_space<hbm>>
      %dma_wait3A_21 = tpu.memref_slice %arg3[%mul3A_3] : memref<100352xf32, #tpu.memory_space<hbm>> -> memref<3136xf32, #tpu.memory_space<hbm>>
      tpu.wait_dma2 semaphore(%run_scoped3A : memref<!tpu.dma_semaphore, #tpu.memory_space<semaphore_mem>>) src(%dma_wait3A_21 : memref<3136xf32, #tpu.memory_space<hbm>>) dst(%arg8 : memref<3136xf32, #tpu.memory_space<vmem>>)
      tpu.yield
    }) : () -> ()
    "tpu.region"() ({
      %run_scoped3A = tpu.sem_alloc : memref<!tpu.dma_semaphore, #tpu.memory_space<semaphore_mem>>
      %dma_start3A = arith.constant 0 : i32
      %dma_start3A_20 = tpu.memref_slice %arg22[%dma_start3A] : memref<264xf32, #tpu.memory_space<vmem_shared>> -> memref<264xf32, #tpu.memory_space<vmem_shared>>
      tpu.enqueue_indirect_dma source(%arg8 : memref<3136xf32, #tpu.memory_space<vmem>>) target(%dma_start3A_20 : memref<264xf32, #tpu.memory_space<vmem_shared>>) offsets(%arg9 : memref<3136xi32, #tpu.memory_space<vmem>>) semaphore(%run_scoped3A : memref<!tpu.dma_semaphore, #tpu.memory_space<semaphore_mem>>) {add = true}
      %dma_wait3A = arith.constant 0 : i32
      %dma_wait3A_21 = tpu.memref_slice %arg22[%dma_wait3A] : memref<264xf32, #tpu.memory_space<vmem_shared>> -> memref<264xf32, #tpu.memory_space<vmem_shared>>
      tpu.wait_indirect_dma semaphore(%run_scoped3A : memref<!tpu.dma_semaphore, #tpu.memory_space<semaphore_mem>>) src(%arg8 : memref<3136xf32, #tpu.memory_space<vmem>>) dst(%dma_wait3A_21 : memref<264xf32, #tpu.memory_space<vmem_shared>>)
      tpu.yield
    }) : () -> ()
    "tpu.region"() ({
      %run_scoped3A = tpu.sem_alloc : memref<!tpu.dma_semaphore, #tpu.memory_space<semaphore_mem>>
      %dma_start3A = tpu.memref_slice %arg4[%mul3A_3] : memref<100352xf32, #tpu.memory_space<hbm>> -> memref<3136xf32, #tpu.memory_space<hbm>>
      %dma_start3A_20 = tpu.memref_slice %arg4[%mul3A_3] : memref<100352xf32, #tpu.memory_space<hbm>> -> memref<3136xf32, #tpu.memory_space<hbm>>
      tpu.enqueue_dma source(%dma_start3A_20 : memref<3136xf32, #tpu.memory_space<hbm>>) target(%arg8 : memref<3136xf32, #tpu.memory_space<vmem>>) target_semaphore(%run_scoped3A : memref<!tpu.dma_semaphore, #tpu.memory_space<semaphore_mem>>)
      %dma_wait3A = tpu.memref_slice %arg4[%mul3A_3] : memref<100352xf32, #tpu.memory_space<hbm>> -> memref<3136xf32, #tpu.memory_space<hbm>>
      %dma_wait3A_21 = tpu.memref_slice %arg4[%mul3A_3] : memref<100352xf32, #tpu.memory_space<hbm>> -> memref<3136xf32, #tpu.memory_space<hbm>>
      tpu.wait_dma2 semaphore(%run_scoped3A : memref<!tpu.dma_semaphore, #tpu.memory_space<semaphore_mem>>) src(%dma_wait3A_21 : memref<3136xf32, #tpu.memory_space<hbm>>) dst(%arg8 : memref<3136xf32, #tpu.memory_space<vmem>>)
      tpu.yield
    }) : () -> ()
    "tpu.region"() ({
      %run_scoped3A = tpu.sem_alloc : memref<!tpu.dma_semaphore, #tpu.memory_space<semaphore_mem>>
      %dma_start3A = arith.constant 0 : i32
      %dma_start3A_20 = tpu.memref_slice %arg23[%dma_start3A] : memref<264xf32, #tpu.memory_space<vmem_shared>> -> memref<264xf32, #tpu.memory_space<vmem_shared>>
      tpu.enqueue_indirect_dma source(%arg8 : memref<3136xf32, #tpu.memory_space<vmem>>) target(%dma_start3A_20 : memref<264xf32, #tpu.memory_space<vmem_shared>>) offsets(%arg9 : memref<3136xi32, #tpu.memory_space<vmem>>) semaphore(%run_scoped3A : memref<!tpu.dma_semaphore, #tpu.memory_space<semaphore_mem>>) {add = true}
      %dma_wait3A = arith.constant 0 : i32
      %dma_wait3A_21 = tpu.memref_slice %arg23[%dma_wait3A] : memref<264xf32, #tpu.memory_space<vmem_shared>> -> memref<264xf32, #tpu.memory_space<vmem_shared>>
      tpu.wait_indirect_dma semaphore(%run_scoped3A : memref<!tpu.dma_semaphore, #tpu.memory_space<semaphore_mem>>) src(%arg8 : memref<3136xf32, #tpu.memory_space<vmem>>) dst(%dma_wait3A_21 : memref<264xf32, #tpu.memory_space<vmem_shared>>)
      tpu.yield
    }) : () -> ()
    "tpu.region"() ({
      %run_scoped3A = tpu.sem_alloc : memref<!tpu.dma_semaphore, #tpu.memory_space<semaphore_mem>>
      %dma_start3A = tpu.memref_slice %arg5[%mul3A_3] : memref<100352xf32, #tpu.memory_space<hbm>> -> memref<3136xf32, #tpu.memory_space<hbm>>
      %dma_start3A_20 = tpu.memref_slice %arg5[%mul3A_3] : memref<100352xf32, #tpu.memory_space<hbm>> -> memref<3136xf32, #tpu.memory_space<hbm>>
      tpu.enqueue_dma source(%dma_start3A_20 : memref<3136xf32, #tpu.memory_space<hbm>>) target(%arg8 : memref<3136xf32, #tpu.memory_space<vmem>>) target_semaphore(%run_scoped3A : memref<!tpu.dma_semaphore, #tpu.memory_space<semaphore_mem>>)
      %dma_wait3A = tpu.memref_slice %arg5[%mul3A_3] : memref<100352xf32, #tpu.memory_space<hbm>> -> memref<3136xf32, #tpu.memory_space<hbm>>
      %dma_wait3A_21 = tpu.memref_slice %arg5[%mul3A_3] : memref<100352xf32, #tpu.memory_space<hbm>> -> memref<3136xf32, #tpu.memory_space<hbm>>
      tpu.wait_dma2 semaphore(%run_scoped3A : memref<!tpu.dma_semaphore, #tpu.memory_space<semaphore_mem>>) src(%dma_wait3A_21 : memref<3136xf32, #tpu.memory_space<hbm>>) dst(%arg8 : memref<3136xf32, #tpu.memory_space<vmem>>)
      tpu.yield
    }) : () -> ()
    "tpu.region"() ({
      %run_scoped3A = tpu.sem_alloc : memref<!tpu.dma_semaphore, #tpu.memory_space<semaphore_mem>>
      %dma_start3A = arith.constant 0 : i32
      %dma_start3A_20 = tpu.memref_slice %arg24[%dma_start3A] : memref<264xf32, #tpu.memory_space<vmem_shared>> -> memref<264xf32, #tpu.memory_space<vmem_shared>>
      tpu.enqueue_indirect_dma source(%arg8 : memref<3136xf32, #tpu.memory_space<vmem>>) target(%dma_start3A_20 : memref<264xf32, #tpu.memory_space<vmem_shared>>) offsets(%arg9 : memref<3136xi32, #tpu.memory_space<vmem>>) semaphore(%run_scoped3A : memref<!tpu.dma_semaphore, #tpu.memory_space<semaphore_mem>>) {add = true}
      %dma_wait3A = arith.constant 0 : i32
      %dma_wait3A_21 = tpu.memref_slice %arg24[%dma_wait3A] : memref<264xf32, #tpu.memory_space<vmem_shared>> -> memref<264xf32, #tpu.memory_space<vmem_shared>>
      tpu.wait_indirect_dma semaphore(%run_scoped3A : memref<!tpu.dma_semaphore, #tpu.memory_space<semaphore_mem>>) src(%arg8 : memref<3136xf32, #tpu.memory_space<vmem>>) dst(%dma_wait3A_21 : memref<264xf32, #tpu.memory_space<vmem_shared>>)
      tpu.yield
    }) : () -> ()
    %add3A_4 = arith.constant 16 : i32
    %add3A_5 = arith.addi %arg1, %add3A_4 : i32
    %mul3A_6 = arith.constant 3136 : i32
    %mul3A_7 = arith.muli %add3A_5, %mul3A_6 : i32
    "tpu.region"() ({
      %run_scoped3A = tpu.sem_alloc : memref<!tpu.dma_semaphore, #tpu.memory_space<semaphore_mem>>
      %dma_start3A = tpu.memref_slice %arg6[%mul3A_7] : memref<100352xi32, #tpu.memory_space<hbm>> -> memref<3136xi32, #tpu.memory_space<hbm>>
      %dma_start3A_20 = tpu.memref_slice %arg6[%mul3A_7] : memref<100352xi32, #tpu.memory_space<hbm>> -> memref<3136xi32, #tpu.memory_space<hbm>>
      tpu.enqueue_dma source(%dma_start3A_20 : memref<3136xi32, #tpu.memory_space<hbm>>) target(%arg9 : memref<3136xi32, #tpu.memory_space<vmem>>) target_semaphore(%run_scoped3A : memref<!tpu.dma_semaphore, #tpu.memory_space<semaphore_mem>>)
      %dma_wait3A = tpu.memref_slice %arg6[%mul3A_7] : memref<100352xi32, #tpu.memory_space<hbm>> -> memref<3136xi32, #tpu.memory_space<hbm>>
      %dma_wait3A_21 = tpu.memref_slice %arg6[%mul3A_7] : memref<100352xi32, #tpu.memory_space<hbm>> -> memref<3136xi32, #tpu.memory_space<hbm>>
      tpu.wait_dma2 semaphore(%run_scoped3A : memref<!tpu.dma_semaphore, #tpu.memory_space<semaphore_mem>>) src(%dma_wait3A_21 : memref<3136xi32, #tpu.memory_space<hbm>>) dst(%arg9 : memref<3136xi32, #tpu.memory_space<vmem>>)
      tpu.yield
    }) : () -> ()
    "tpu.region"() ({
      %run_scoped3A = tpu.sem_alloc : memref<!tpu.dma_semaphore, #tpu.memory_space<semaphore_mem>>
      %dma_start3A = tpu.memref_slice %arg2[%mul3A_7] : memref<100352xf32, #tpu.memory_space<hbm>> -> memref<3136xf32, #tpu.memory_space<hbm>>
      %dma_start3A_20 = tpu.memref_slice %arg2[%mul3A_7] : memref<100352xf32, #tpu.memory_space<hbm>> -> memref<3136xf32, #tpu.memory_space<hbm>>
      tpu.enqueue_dma source(%dma_start3A_20 : memref<3136xf32, #tpu.memory_space<hbm>>) target(%arg8 : memref<3136xf32, #tpu.memory_space<vmem>>) target_semaphore(%run_scoped3A : memref<!tpu.dma_semaphore, #tpu.memory_space<semaphore_mem>>)
      %dma_wait3A = tpu.memref_slice %arg2[%mul3A_7] : memref<100352xf32, #tpu.memory_space<hbm>> -> memref<3136xf32, #tpu.memory_space<hbm>>
      %dma_wait3A_21 = tpu.memref_slice %arg2[%mul3A_7] : memref<100352xf32, #tpu.memory_space<hbm>> -> memref<3136xf32, #tpu.memory_space<hbm>>
      tpu.wait_dma2 semaphore(%run_scoped3A : memref<!tpu.dma_semaphore, #tpu.memory_space<semaphore_mem>>) src(%dma_wait3A_21 : memref<3136xf32, #tpu.memory_space<hbm>>) dst(%arg8 : memref<3136xf32, #tpu.memory_space<vmem>>)
      tpu.yield
    }) : () -> ()
    "tpu.region"() ({
      %run_scoped3A = tpu.sem_alloc : memref<!tpu.dma_semaphore, #tpu.memory_space<semaphore_mem>>
      %dma_start3A = arith.constant 0 : i32
      %dma_start3A_20 = tpu.memref_slice %arg21[%dma_start3A] : memref<264xf32, #tpu.memory_space<vmem_shared>> -> memref<264xf32, #tpu.memory_space<vmem_shared>>
      tpu.enqueue_indirect_dma source(%arg8 : memref<3136xf32, #tpu.memory_space<vmem>>) target(%dma_start3A_20 : memref<264xf32, #tpu.memory_space<vmem_shared>>) offsets(%arg9 : memref<3136xi32, #tpu.memory_space<vmem>>) semaphore(%run_scoped3A : memref<!tpu.dma_semaphore, #tpu.memory_space<semaphore_mem>>) {add = true}
      %dma_wait3A = arith.constant 0 : i32
      %dma_wait3A_21 = tpu.memref_slice %arg21[%dma_wait3A] : memref<264xf32, #tpu.memory_space<vmem_shared>> -> memref<264xf32, #tpu.memory_space<vmem_shared>>
      tpu.wait_indirect_dma semaphore(%run_scoped3A : memref<!tpu.dma_semaphore, #tpu.memory_space<semaphore_mem>>) src(%arg8 : memref<3136xf32, #tpu.memory_space<vmem>>) dst(%dma_wait3A_21 : memref<264xf32, #tpu.memory_space<vmem_shared>>)
      tpu.yield
    }) : () -> ()
    "tpu.region"() ({
      %run_scoped3A = tpu.sem_alloc : memref<!tpu.dma_semaphore, #tpu.memory_space<semaphore_mem>>
      %dma_start3A = tpu.memref_slice %arg3[%mul3A_7] : memref<100352xf32, #tpu.memory_space<hbm>> -> memref<3136xf32, #tpu.memory_space<hbm>>
      %dma_start3A_20 = tpu.memref_slice %arg3[%mul3A_7] : memref<100352xf32, #tpu.memory_space<hbm>> -> memref<3136xf32, #tpu.memory_space<hbm>>
      tpu.enqueue_dma source(%dma_start3A_20 : memref<3136xf32, #tpu.memory_space<hbm>>) target(%arg8 : memref<3136xf32, #tpu.memory_space<vmem>>) target_semaphore(%run_scoped3A : memref<!tpu.dma_semaphore, #tpu.memory_space<semaphore_mem>>)
      %dma_wait3A = tpu.memref_slice %arg3[%mul3A_7] : memref<100352xf32, #tpu.memory_space<hbm>> -> memref<3136xf32, #tpu.memory_space<hbm>>
      %dma_wait3A_21 = tpu.memref_slice %arg3[%mul3A_7] : memref<100352xf32, #tpu.memory_space<hbm>> -> memref<3136xf32, #tpu.memory_space<hbm>>
      tpu.wait_dma2 semaphore(%run_scoped3A : memref<!tpu.dma_semaphore, #tpu.memory_space<semaphore_mem>>) src(%dma_wait3A_21 : memref<3136xf32, #tpu.memory_space<hbm>>) dst(%arg8 : memref<3136xf32, #tpu.memory_space<vmem>>)
      tpu.yield
    }) : () -> ()
    "tpu.region"() ({
      %run_scoped3A = tpu.sem_alloc : memref<!tpu.dma_semaphore, #tpu.memory_space<semaphore_mem>>
      %dma_start3A = arith.constant 0 : i32
      %dma_start3A_20 = tpu.memref_slice %arg22[%dma_start3A] : memref<264xf32, #tpu.memory_space<vmem_shared>> -> memref<264xf32, #tpu.memory_space<vmem_shared>>
      tpu.enqueue_indirect_dma source(%arg8 : memref<3136xf32, #tpu.memory_space<vmem>>) target(%dma_start3A_20 : memref<264xf32, #tpu.memory_space<vmem_shared>>) offsets(%arg9 : memref<3136xi32, #tpu.memory_space<vmem>>) semaphore(%run_scoped3A : memref<!tpu.dma_semaphore, #tpu.memory_space<semaphore_mem>>) {add = true}
      %dma_wait3A = arith.constant 0 : i32
      %dma_wait3A_21 = tpu.memref_slice %arg22[%dma_wait3A] : memref<264xf32, #tpu.memory_space<vmem_shared>> -> memref<264xf32, #tpu.memory_space<vmem_shared>>
      tpu.wait_indirect_dma semaphore(%run_scoped3A : memref<!tpu.dma_semaphore, #tpu.memory_space<semaphore_mem>>) src(%arg8 : memref<3136xf32, #tpu.memory_space<vmem>>) dst(%dma_wait3A_21 : memref<264xf32, #tpu.memory_space<vmem_shared>>)
      tpu.yield
    }) : () -> ()
    "tpu.region"() ({
      %run_scoped3A = tpu.sem_alloc : memref<!tpu.dma_semaphore, #tpu.memory_space<semaphore_mem>>
      %dma_start3A = tpu.memref_slice %arg4[%mul3A_7] : memref<100352xf32, #tpu.memory_space<hbm>> -> memref<3136xf32, #tpu.memory_space<hbm>>
      %dma_start3A_20 = tpu.memref_slice %arg4[%mul3A_7] : memref<100352xf32, #tpu.memory_space<hbm>> -> memref<3136xf32, #tpu.memory_space<hbm>>
      tpu.enqueue_dma source(%dma_start3A_20 : memref<3136xf32, #tpu.memory_space<hbm>>) target(%arg8 : memref<3136xf32, #tpu.memory_space<vmem>>) target_semaphore(%run_scoped3A : memref<!tpu.dma_semaphore, #tpu.memory_space<semaphore_mem>>)
      %dma_wait3A = tpu.memref_slice %arg4[%mul3A_7] : memref<100352xf32, #tpu.memory_space<hbm>> -> memref<3136xf32, #tpu.memory_space<hbm>>
      %dma_wait3A_21 = tpu.memref_slice %arg4[%mul3A_7] : memref<100352xf32, #tpu.memory_space<hbm>> -> memref<3136xf32, #tpu.memory_space<hbm>>
      tpu.wait_dma2 semaphore(%run_scoped3A : memref<!tpu.dma_semaphore, #tpu.memory_space<semaphore_mem>>) src(%dma_wait3A_21 : memref<3136xf32, #tpu.memory_space<hbm>>) dst(%arg8 : memref<3136xf32, #tpu.memory_space<vmem>>)
      tpu.yield
    }) : () -> ()
    "tpu.region"() ({
      %run_scoped3A = tpu.sem_alloc : memref<!tpu.dma_semaphore, #tpu.memory_space<semaphore_mem>>
      %dma_start3A = arith.constant 0 : i32
      %dma_start3A_20 = tpu.memref_slice %arg23[%dma_start3A] : memref<264xf32, #tpu.memory_space<vmem_shared>> -> memref<264xf32, #tpu.memory_space<vmem_shared>>
      tpu.enqueue_indirect_dma source(%arg8 : memref<3136xf32, #tpu.memory_space<vmem>>) target(%dma_start3A_20 : memref<264xf32, #tpu.memory_space<vmem_shared>>) offsets(%arg9 : memref<3136xi32, #tpu.memory_space<vmem>>) semaphore(%run_scoped3A : memref<!tpu.dma_semaphore, #tpu.memory_space<semaphore_mem>>) {add = true}
      %dma_wait3A = arith.constant 0 : i32
      %dma_wait3A_21 = tpu.memref_slice %arg23[%dma_wait3A] : memref<264xf32, #tpu.memory_space<vmem_shared>> -> memref<264xf32, #tpu.memory_space<vmem_shared>>
      tpu.wait_indirect_dma semaphore(%run_scoped3A : memref<!tpu.dma_semaphore, #tpu.memory_space<semaphore_mem>>) src(%arg8 : memref<3136xf32, #tpu.memory_space<vmem>>) dst(%dma_wait3A_21 : memref<264xf32, #tpu.memory_space<vmem_shared>>)
      tpu.yield
    }) : () -> ()
    "tpu.region"() ({
      %run_scoped3A = tpu.sem_alloc : memref<!tpu.dma_semaphore, #tpu.memory_space<semaphore_mem>>
      %dma_start3A = tpu.memref_slice %arg5[%mul3A_7] : memref<100352xf32, #tpu.memory_space<hbm>> -> memref<3136xf32, #tpu.memory_space<hbm>>
      %dma_start3A_20 = tpu.memref_slice %arg5[%mul3A_7] : memref<100352xf32, #tpu.memory_space<hbm>> -> memref<3136xf32, #tpu.memory_space<hbm>>
      tpu.enqueue_dma source(%dma_start3A_20 : memref<3136xf32, #tpu.memory_space<hbm>>) target(%arg8 : memref<3136xf32, #tpu.memory_space<vmem>>) target_semaphore(%run_scoped3A : memref<!tpu.dma_semaphore, #tpu.memory_space<semaphore_mem>>)
      %dma_wait3A = tpu.memref_slice %arg5[%mul3A_7] : memref<100352xf32, #tpu.memory_space<hbm>> -> memref<3136xf32, #tpu.memory_space<hbm>>
      %dma_wait3A_21 = tpu.memref_slice %arg5[%mul3A_7] : memref<100352xf32, #tpu.memory_space<hbm>> -> memref<3136xf32, #tpu.memory_space<hbm>>
      tpu.wait_dma2 semaphore(%run_scoped3A : memref<!tpu.dma_semaphore, #tpu.memory_space<semaphore_mem>>) src(%dma_wait3A_21 : memref<3136xf32, #tpu.memory_space<hbm>>) dst(%arg8 : memref<3136xf32, #tpu.memory_space<vmem>>)
      tpu.yield
    }) : () -> ()
    "tpu.region"() ({
      %run_scoped3A = tpu.sem_alloc : memref<!tpu.dma_semaphore, #tpu.memory_space<semaphore_mem>>
      %dma_start3A = arith.constant 0 : i32
      %dma_start3A_20 = tpu.memref_slice %arg24[%dma_start3A] : memref<264xf32, #tpu.memory_space<vmem_shared>> -> memref<264xf32, #tpu.memory_space<vmem_shared>>
      tpu.enqueue_indirect_dma source(%arg8 : memref<3136xf32, #tpu.memory_space<vmem>>) target(%dma_start3A_20 : memref<264xf32, #tpu.memory_space<vmem_shared>>) offsets(%arg9 : memref<3136xi32, #tpu.memory_space<vmem>>) semaphore(%run_scoped3A : memref<!tpu.dma_semaphore, #tpu.memory_space<semaphore_mem>>) {add = true}
      %dma_wait3A = arith.constant 0 : i32
      %dma_wait3A_21 = tpu.memref_slice %arg24[%dma_wait3A] : memref<264xf32, #tpu.memory_space<vmem_shared>> -> memref<264xf32, #tpu.memory_space<vmem_shared>>
      tpu.wait_indirect_dma semaphore(%run_scoped3A : memref<!tpu.dma_semaphore, #tpu.memory_space<semaphore_mem>>) src(%arg8 : memref<3136xf32, #tpu.memory_space<vmem>>) dst(%dma_wait3A_21 : memref<264xf32, #tpu.memory_space<vmem_shared>>)
      tpu.yield
    }) : () -> ()
    %barrier3A_8 = arith.constant 0 : index
    tpu.barrier barrier_id(%barrier3A_8)
    %mul3A_9 = arith.constant 16 : i32
    %mul3A_10 = arith.muli %mul3A_9, %arg0 : i32
    %add3A_11 = arith.addi %arg1, %mul3A_10 : i32
    %mul3A_12 = arith.constant 3136 : i32
    %mul3A_13 = arith.muli %add3A_11, %mul3A_12 : i32
    "tpu.region"() ({
      %run_scoped3A = tpu.sem_alloc : memref<!tpu.dma_semaphore, #tpu.memory_space<semaphore_mem>>
      %dma_start3A = tpu.memref_slice %arg6[%mul3A_13] : memref<100352xi32, #tpu.memory_space<hbm>> -> memref<3136xi32, #tpu.memory_space<hbm>>
      %dma_start3A_20 = tpu.memref_slice %arg6[%mul3A_13] : memref<100352xi32, #tpu.memory_space<hbm>> -> memref<3136xi32, #tpu.memory_space<hbm>>
      tpu.enqueue_dma source(%dma_start3A_20 : memref<3136xi32, #tpu.memory_space<hbm>>) target(%arg14 : memref<3136xi32, #tpu.memory_space<vmem>>) target_semaphore(%run_scoped3A : memref<!tpu.dma_semaphore, #tpu.memory_space<semaphore_mem>>)
      %dma_wait3A = tpu.memref_slice %arg6[%mul3A_13] : memref<100352xi32, #tpu.memory_space<hbm>> -> memref<3136xi32, #tpu.memory_space<hbm>>
      %dma_wait3A_21 = tpu.memref_slice %arg6[%mul3A_13] : memref<100352xi32, #tpu.memory_space<hbm>> -> memref<3136xi32, #tpu.memory_space<hbm>>
      tpu.wait_dma2 semaphore(%run_scoped3A : memref<!tpu.dma_semaphore, #tpu.memory_space<semaphore_mem>>) src(%dma_wait3A_21 : memref<3136xi32, #tpu.memory_space<hbm>>) dst(%arg14 : memref<3136xi32, #tpu.memory_space<vmem>>)
      tpu.yield
    }) : () -> ()
    "tpu.region"() ({
      %run_scoped3A = tpu.sem_alloc : memref<!tpu.dma_semaphore, #tpu.memory_space<semaphore_mem>>
      %dma_start3A = tpu.memref_slice %arg2[%mul3A_13] : memref<100352xf32, #tpu.memory_space<hbm>> -> memref<3136xf32, #tpu.memory_space<hbm>>
      %dma_start3A_20 = tpu.memref_slice %arg2[%mul3A_13] : memref<100352xf32, #tpu.memory_space<hbm>> -> memref<3136xf32, #tpu.memory_space<hbm>>
      tpu.enqueue_dma source(%dma_start3A_20 : memref<3136xf32, #tpu.memory_space<hbm>>) target(%arg10 : memref<3136xf32, #tpu.memory_space<vmem>>) target_semaphore(%run_scoped3A : memref<!tpu.dma_semaphore, #tpu.memory_space<semaphore_mem>>)
      %dma_wait3A = tpu.memref_slice %arg2[%mul3A_13] : memref<100352xf32, #tpu.memory_space<hbm>> -> memref<3136xf32, #tpu.memory_space<hbm>>
      %dma_wait3A_21 = tpu.memref_slice %arg2[%mul3A_13] : memref<100352xf32, #tpu.memory_space<hbm>> -> memref<3136xf32, #tpu.memory_space<hbm>>
      tpu.wait_dma2 semaphore(%run_scoped3A : memref<!tpu.dma_semaphore, #tpu.memory_space<semaphore_mem>>) src(%dma_wait3A_21 : memref<3136xf32, #tpu.memory_space<hbm>>) dst(%arg10 : memref<3136xf32, #tpu.memory_space<vmem>>)
      tpu.yield
    }) : () -> ()
    "tpu.region"() ({
      %run_scoped3A = tpu.sem_alloc : memref<!tpu.dma_semaphore, #tpu.memory_space<semaphore_mem>>
      %dma_start3A = arith.constant 0 : i32
      %dma_start3A_20 = tpu.memref_slice %arg21[%dma_start3A] : memref<264xf32, #tpu.memory_space<vmem_shared>> -> memref<264xf32, #tpu.memory_space<vmem_shared>>
      tpu.enqueue_indirect_dma source(%dma_start3A_20 : memref<264xf32, #tpu.memory_space<vmem_shared>>) target(%arg15 : memref<3136xf32, #tpu.memory_space<vmem>>) offsets(%arg14 : memref<3136xi32, #tpu.memory_space<vmem>>) semaphore(%run_scoped3A : memref<!tpu.dma_semaphore, #tpu.memory_space<semaphore_mem>>)
      %dma_wait3A = arith.constant 0 : i32
      %dma_wait3A_21 = tpu.memref_slice %arg21[%dma_wait3A] : memref<264xf32, #tpu.memory_space<vmem_shared>> -> memref<264xf32, #tpu.memory_space<vmem_shared>>
      tpu.wait_indirect_dma semaphore(%run_scoped3A : memref<!tpu.dma_semaphore, #tpu.memory_space<semaphore_mem>>) src(%dma_wait3A_21 : memref<264xf32, #tpu.memory_space<vmem_shared>>) dst(%arg15 : memref<3136xf32, #tpu.memory_space<vmem>>)
      tpu.yield
    }) : () -> ()
    "tpu.region"() ({
      %run_scoped3A = tpu.sem_alloc : memref<!tpu.dma_semaphore, #tpu.memory_space<semaphore_mem>>
      %dma_start3A = tpu.memref_slice %arg3[%mul3A_13] : memref<100352xf32, #tpu.memory_space<hbm>> -> memref<3136xf32, #tpu.memory_space<hbm>>
      %dma_start3A_20 = tpu.memref_slice %arg3[%mul3A_13] : memref<100352xf32, #tpu.memory_space<hbm>> -> memref<3136xf32, #tpu.memory_space<hbm>>
      tpu.enqueue_dma source(%dma_start3A_20 : memref<3136xf32, #tpu.memory_space<hbm>>) target(%arg11 : memref<3136xf32, #tpu.memory_space<vmem>>) target_semaphore(%run_scoped3A : memref<!tpu.dma_semaphore, #tpu.memory_space<semaphore_mem>>)
      %dma_wait3A = tpu.memref_slice %arg3[%mul3A_13] : memref<100352xf32, #tpu.memory_space<hbm>> -> memref<3136xf32, #tpu.memory_space<hbm>>
      %dma_wait3A_21 = tpu.memref_slice %arg3[%mul3A_13] : memref<100352xf32, #tpu.memory_space<hbm>> -> memref<3136xf32, #tpu.memory_space<hbm>>
      tpu.wait_dma2 semaphore(%run_scoped3A : memref<!tpu.dma_semaphore, #tpu.memory_space<semaphore_mem>>) src(%dma_wait3A_21 : memref<3136xf32, #tpu.memory_space<hbm>>) dst(%arg11 : memref<3136xf32, #tpu.memory_space<vmem>>)
      tpu.yield
    }) : () -> ()
    "tpu.region"() ({
      %run_scoped3A = tpu.sem_alloc : memref<!tpu.dma_semaphore, #tpu.memory_space<semaphore_mem>>
      %dma_start3A = arith.constant 0 : i32
      %dma_start3A_20 = tpu.memref_slice %arg22[%dma_start3A] : memref<264xf32, #tpu.memory_space<vmem_shared>> -> memref<264xf32, #tpu.memory_space<vmem_shared>>
      tpu.enqueue_indirect_dma source(%dma_start3A_20 : memref<264xf32, #tpu.memory_space<vmem_shared>>) target(%arg16 : memref<3136xf32, #tpu.memory_space<vmem>>) offsets(%arg14 : memref<3136xi32, #tpu.memory_space<vmem>>) semaphore(%run_scoped3A : memref<!tpu.dma_semaphore, #tpu.memory_space<semaphore_mem>>)
      %dma_wait3A = arith.constant 0 : i32
      %dma_wait3A_21 = tpu.memref_slice %arg22[%dma_wait3A] : memref<264xf32, #tpu.memory_space<vmem_shared>> -> memref<264xf32, #tpu.memory_space<vmem_shared>>
      tpu.wait_indirect_dma semaphore(%run_scoped3A : memref<!tpu.dma_semaphore, #tpu.memory_space<semaphore_mem>>) src(%dma_wait3A_21 : memref<264xf32, #tpu.memory_space<vmem_shared>>) dst(%arg16 : memref<3136xf32, #tpu.memory_space<vmem>>)
      tpu.yield
    }) : () -> ()
    "tpu.region"() ({
      %run_scoped3A = tpu.sem_alloc : memref<!tpu.dma_semaphore, #tpu.memory_space<semaphore_mem>>
      %dma_start3A = tpu.memref_slice %arg4[%mul3A_13] : memref<100352xf32, #tpu.memory_space<hbm>> -> memref<3136xf32, #tpu.memory_space<hbm>>
      %dma_start3A_20 = tpu.memref_slice %arg4[%mul3A_13] : memref<100352xf32, #tpu.memory_space<hbm>> -> memref<3136xf32, #tpu.memory_space<hbm>>
      tpu.enqueue_dma source(%dma_start3A_20 : memref<3136xf32, #tpu.memory_space<hbm>>) target(%arg12 : memref<3136xf32, #tpu.memory_space<vmem>>) target_semaphore(%run_scoped3A : memref<!tpu.dma_semaphore, #tpu.memory_space<semaphore_mem>>)
      %dma_wait3A = tpu.memref_slice %arg4[%mul3A_13] : memref<100352xf32, #tpu.memory_space<hbm>> -> memref<3136xf32, #tpu.memory_space<hbm>>
      %dma_wait3A_21 = tpu.memref_slice %arg4[%mul3A_13] : memref<100352xf32, #tpu.memory_space<hbm>> -> memref<3136xf32, #tpu.memory_space<hbm>>
      tpu.wait_dma2 semaphore(%run_scoped3A : memref<!tpu.dma_semaphore, #tpu.memory_space<semaphore_mem>>) src(%dma_wait3A_21 : memref<3136xf32, #tpu.memory_space<hbm>>) dst(%arg12 : memref<3136xf32, #tpu.memory_space<vmem>>)
      tpu.yield
    }) : () -> ()
    "tpu.region"() ({
      %run_scoped3A = tpu.sem_alloc : memref<!tpu.dma_semaphore, #tpu.memory_space<semaphore_mem>>
      %dma_start3A = arith.constant 0 : i32
      %dma_start3A_20 = tpu.memref_slice %arg23[%dma_start3A] : memref<264xf32, #tpu.memory_space<vmem_shared>> -> memref<264xf32, #tpu.memory_space<vmem_shared>>
      tpu.enqueue_indirect_dma source(%dma_start3A_20 : memref<264xf32, #tpu.memory_space<vmem_shared>>) target(%arg17 : memref<3136xf32, #tpu.memory_space<vmem>>) offsets(%arg14 : memref<3136xi32, #tpu.memory_space<vmem>>) semaphore(%run_scoped3A : memref<!tpu.dma_semaphore, #tpu.memory_space<semaphore_mem>>)
      %dma_wait3A = arith.constant 0 : i32
      %dma_wait3A_21 = tpu.memref_slice %arg23[%dma_wait3A] : memref<264xf32, #tpu.memory_space<vmem_shared>> -> memref<264xf32, #tpu.memory_space<vmem_shared>>
      tpu.wait_indirect_dma semaphore(%run_scoped3A : memref<!tpu.dma_semaphore, #tpu.memory_space<semaphore_mem>>) src(%dma_wait3A_21 : memref<264xf32, #tpu.memory_space<vmem_shared>>) dst(%arg17 : memref<3136xf32, #tpu.memory_space<vmem>>)
      tpu.yield
    }) : () -> ()
    "tpu.region"() ({
      %run_scoped3A = tpu.sem_alloc : memref<!tpu.dma_semaphore, #tpu.memory_space<semaphore_mem>>
      %dma_start3A = tpu.memref_slice %arg5[%mul3A_13] : memref<100352xf32, #tpu.memory_space<hbm>> -> memref<3136xf32, #tpu.memory_space<hbm>>
      %dma_start3A_20 = tpu.memref_slice %arg5[%mul3A_13] : memref<100352xf32, #tpu.memory_space<hbm>> -> memref<3136xf32, #tpu.memory_space<hbm>>
      tpu.enqueue_dma source(%dma_start3A_20 : memref<3136xf32, #tpu.memory_space<hbm>>) target(%arg13 : memref<3136xf32, #tpu.memory_space<vmem>>) target_semaphore(%run_scoped3A : memref<!tpu.dma_semaphore, #tpu.memory_space<semaphore_mem>>)
      %dma_wait3A = tpu.memref_slice %arg5[%mul3A_13] : memref<100352xf32, #tpu.memory_space<hbm>> -> memref<3136xf32, #tpu.memory_space<hbm>>
      %dma_wait3A_21 = tpu.memref_slice %arg5[%mul3A_13] : memref<100352xf32, #tpu.memory_space<hbm>> -> memref<3136xf32, #tpu.memory_space<hbm>>
      tpu.wait_dma2 semaphore(%run_scoped3A : memref<!tpu.dma_semaphore, #tpu.memory_space<semaphore_mem>>) src(%dma_wait3A_21 : memref<3136xf32, #tpu.memory_space<hbm>>) dst(%arg13 : memref<3136xf32, #tpu.memory_space<vmem>>)
      tpu.yield
    }) : () -> ()
    "tpu.region"() ({
      %run_scoped3A = tpu.sem_alloc : memref<!tpu.dma_semaphore, #tpu.memory_space<semaphore_mem>>
      %dma_start3A = arith.constant 0 : i32
      %dma_start3A_20 = tpu.memref_slice %arg24[%dma_start3A] : memref<264xf32, #tpu.memory_space<vmem_shared>> -> memref<264xf32, #tpu.memory_space<vmem_shared>>
      tpu.enqueue_indirect_dma source(%dma_start3A_20 : memref<264xf32, #tpu.memory_space<vmem_shared>>) target(%arg18 : memref<3136xf32, #tpu.memory_space<vmem>>) offsets(%arg14 : memref<3136xi32, #tpu.memory_space<vmem>>) semaphore(%run_scoped3A : memref<!tpu.dma_semaphore, #tpu.memory_space<semaphore_mem>>)
      %dma_wait3A = arith.constant 0 : i32
      %dma_wait3A_21 = tpu.memref_slice %arg24[%dma_wait3A] : memref<264xf32, #tpu.memory_space<vmem_shared>> -> memref<264xf32, #tpu.memory_space<vmem_shared>>
      tpu.wait_indirect_dma semaphore(%run_scoped3A : memref<!tpu.dma_semaphore, #tpu.memory_space<semaphore_mem>>) src(%dma_wait3A_21 : memref<264xf32, #tpu.memory_space<vmem_shared>>) dst(%arg18 : memref<3136xf32, #tpu.memory_space<vmem>>)
      tpu.yield
    }) : () -> ()
    %scan3A = arith.constant 0 : i32
    %scan3A_14 = arith.constant 0 : i32
    %scan3A_15 = arith.constant 196 : i32
    %scan3A_16 = arith.addi %scan3A_14, %scan3A_15 : i32
    %scan3A_17 = arith.constant 1 : i32
    %scan3A_18 = scf.for %scan3A_20 = %scan3A_14 to %scan3A_16 step %scan3A_17 iter_args(%scan3A_21 = %scan3A) -> (i32)  : i32 {
      %mul3A_22 = arith.constant 16 : i32
      %mul3A_23 = arith.muli %scan3A_20, %mul3A_22 : i32
      %broadcast_in_dim3A = arith.constant 0.000000e+00 : f32
      %broadcast_in_dim3A_24 = vector.broadcast %broadcast_in_dim3A : f32 to vector<16xf32>
      %get3A = arith.index_cast %mul3A_23 : i32 to index
      %get3A_25 = tpu.vector_load %arg10[%get3A] {strides = array<i32>} : memref<3136xf32, #tpu.memory_space<vmem>>, vector<16xf32>,
      %get3A_26 = vector.shape_cast %get3A_25 : vector<16xf32> to vector<16xf32>
      %get3A_27 = arith.index_cast %mul3A_23 : i32 to index
      %get3A_28 = tpu.vector_load %arg15[%get3A_27] {strides = array<i32>} : memref<3136xf32, #tpu.memory_space<vmem>>, vector<16xf32>,
      %get3A_29 = vector.shape_cast %get3A_28 : vector<16xf32> to vector<16xf32>
      %add3A_30 = arith.constant 9.99999996E-13 : f32
      %add3A_31 = vector.broadcast %add3A_30 : f32 to vector<16xf32>
      %add3A_32 = arith.addf %get3A_29, %add3A_31 : vector<16xf32>
      %div3A = arith.divf %get3A_26, %add3A_32 : vector<16xf32>
      %add3A_33 = arith.addf %broadcast_in_dim3A_24, %div3A : vector<16xf32>
      %get3A_34 = arith.index_cast %mul3A_23 : i32 to index
      %get3A_35 = tpu.vector_load %arg11[%get3A_34] {strides = array<i32>} : memref<3136xf32, #tpu.memory_space<vmem>>, vector<16xf32>,
      %get3A_36 = vector.shape_cast %get3A_35 : vector<16xf32> to vector<16xf32>
      %get3A_37 = arith.index_cast %mul3A_23 : i32 to index
      %get3A_38 = tpu.vector_load %arg16[%get3A_37] {strides = array<i32>} : memref<3136xf32, #tpu.memory_space<vmem>>, vector<16xf32>,
      %get3A_39 = vector.shape_cast %get3A_38 : vector<16xf32> to vector<16xf32>
      %add3A_40 = arith.constant 9.99999996E-13 : f32
      %add3A_41 = vector.broadcast %add3A_40 : f32 to vector<16xf32>
      %add3A_42 = arith.addf %get3A_39, %add3A_41 : vector<16xf32>
      %div3A_43 = arith.divf %get3A_36, %add3A_42 : vector<16xf32>
      %add3A_44 = arith.addf %add3A_33, %div3A_43 : vector<16xf32>
      %get3A_45 = arith.index_cast %mul3A_23 : i32 to index
      %get3A_46 = tpu.vector_load %arg12[%get3A_45] {strides = array<i32>} : memref<3136xf32, #tpu.memory_space<vmem>>, vector<16xf32>,
      %get3A_47 = vector.shape_cast %get3A_46 : vector<16xf32> to vector<16xf32>
      %get3A_48 = arith.index_cast %mul3A_23 : i32 to index
      %get3A_49 = tpu.vector_load %arg17[%get3A_48] {strides = array<i32>} : memref<3136xf32, #tpu.memory_space<vmem>>, vector<16xf32>,
      %get3A_50 = vector.shape_cast %get3A_49 : vector<16xf32> to vector<16xf32>
      %add3A_51 = arith.constant 9.99999996E-13 : f32
      %add3A_52 = vector.broadcast %add3A_51 : f32 to vector<16xf32>
      %add3A_53 = arith.addf %get3A_50, %add3A_52 : vector<16xf32>
      %div3A_54 = arith.divf %get3A_47, %add3A_53 : vector<16xf32>
      %add3A_55 = arith.addf %add3A_44, %div3A_54 : vector<16xf32>
      %get3A_56 = arith.index_cast %mul3A_23 : i32 to index
      %get3A_57 = tpu.vector_load %arg13[%get3A_56] {strides = array<i32>} : memref<3136xf32, #tpu.memory_space<vmem>>, vector<16xf32>,
      %get3A_58 = vector.shape_cast %get3A_57 : vector<16xf32> to vector<16xf32>
      %get3A_59 = arith.index_cast %mul3A_23 : i32 to index
      %get3A_60 = tpu.vector_load %arg18[%get3A_59] {strides = array<i32>} : memref<3136xf32, #tpu.memory_space<vmem>>, vector<16xf32>,
      %get3A_61 = vector.shape_cast %get3A_60 : vector<16xf32> to vector<16xf32>
      %add3A_62 = arith.constant 9.99999996E-13 : f32
      %add3A_63 = vector.broadcast %add3A_62 : f32 to vector<16xf32>
      %add3A_64 = arith.addf %get3A_61, %add3A_63 : vector<16xf32>
      %div3A_65 = arith.divf %get3A_58, %add3A_64 : vector<16xf32>
      %add3A_66 = arith.addf %add3A_55, %div3A_65 : vector<16xf32>
      %mul3A_67 = arith.constant 2.500000e-01 : f32
      %mul3A_68 = vector.broadcast %mul3A_67 : f32 to vector<16xf32>
      %mul3A_69 = arith.mulf %add3A_66, %mul3A_68 : vector<16xf32>
      %swap3A = arith.index_cast %mul3A_23 : i32 to index
      %swap3A_70 = tpu.vector_load %arg19[%swap3A] {strides = array<i32>} : memref<3136xf32, #tpu.memory_space<vmem>>, vector<16xf32>,
      %swap3A_71 = vector.shape_cast %swap3A_70 : vector<16xf32> to vector<16xf32>
      %swap3A_72 = vector.shape_cast %mul3A_69 : vector<16xf32> to vector<16xf32>
      tpu.vector_store %arg19[%swap3A], %swap3A_72 {strides = array<i32>} : memref<3136xf32, #tpu.memory_space<vmem>>, vector<16xf32>,
      %scan3A_73 = arith.constant 0 : i32
      scf.yield %scan3A_73 : i32
    }
    %scan3A_19 = arith.constant 196 : i32
    "tpu.region"() ({
      %run_scoped3A = tpu.sem_alloc : memref<!tpu.dma_semaphore, #tpu.memory_space<semaphore_mem>>
      %dma_start3A = tpu.memref_slice %arg7[%mul3A_13] : memref<100352xf32, #tpu.memory_space<hbm>> -> memref<3136xf32, #tpu.memory_space<hbm>>
      %dma_start3A_20 = tpu.memref_slice %arg7[%mul3A_13] : memref<100352xf32, #tpu.memory_space<hbm>> -> memref<3136xf32, #tpu.memory_space<hbm>>
      tpu.enqueue_dma source(%arg19 : memref<3136xf32, #tpu.memory_space<vmem>>) target(%dma_start3A_20 : memref<3136xf32, #tpu.memory_space<hbm>>) target_semaphore(%run_scoped3A : memref<!tpu.dma_semaphore, #tpu.memory_space<semaphore_mem>>)
      %dma_wait3A = tpu.memref_slice %arg7[%mul3A_13] : memref<100352xf32, #tpu.memory_space<hbm>> -> memref<3136xf32, #tpu.memory_space<hbm>>
      %dma_wait3A_21 = tpu.memref_slice %arg7[%mul3A_13] : memref<100352xf32, #tpu.memory_space<hbm>> -> memref<3136xf32, #tpu.memory_space<hbm>>
      tpu.wait_dma2 semaphore(%run_scoped3A : memref<!tpu.dma_semaphore, #tpu.memory_space<semaphore_mem>>) src(%arg19 : memref<3136xf32, #tpu.memory_space<vmem>>) dst(%dma_wait3A_21 : memref<3136xf32, #tpu.memory_space<hbm>>)
      tpu.yield
    }) : () -> ()
    return
  }
}

module attributes {stable_mosaic.version = 14 : i64} {
  func.func @_k1_body(%arg0: i32, %arg1: memref<2048x128xf32, #tpu.memory_space<vmem>>, %arg2: memref<128x64xf32, #tpu.memory_space<vmem>>, %arg3: memref<1x64xf32, #tpu.memory_space<vmem>>, %arg4: memref<64x4xf32, #tpu.memory_space<vmem>>, %arg5: memref<4x1xf32, #tpu.memory_space<vmem>>, %arg6: memref<1x4x2048xf32, #tpu.memory_space<vmem>>) attributes {dimension_semantics = [#tpu.dimension_semantics<arbitrary>], iteration_bounds = array<i64: 49>, scalar_prefetch = 0 : i64, scratch_operands = 0 : i64, tpu.core_type = #tpu.core_type<tc>, window_params = [{transform_indices = @transform_0, window_bounds = array<i64: 2048, 128>}, {pipeline_mode = #tpu.pipeline_mode<synchronous>, transform_indices = @transform_1, window_bounds = array<i64: 128, 64>}, {pipeline_mode = #tpu.pipeline_mode<synchronous>, transform_indices = @transform_2, window_bounds = array<i64: 1, 64>}, {pipeline_mode = #tpu.pipeline_mode<synchronous>, transform_indices = @transform_3, window_bounds = array<i64: 64, 4>}, {pipeline_mode = #tpu.pipeline_mode<synchronous>, transform_indices = @transform_4, window_bounds = array<i64: 4, 1>}, {transform_indices = @transform_5, window_bounds = array<i64: 1, 4, 2048>}]} {
    %get3A = arith.constant 0 : index
    %get3A_0 = arith.constant 0 : index
    %get3A_1 = vector.load %arg1[%get3A, %get3A_0] : memref<2048x128xf32, #tpu.memory_space<vmem>>, vector<2048x128xf32>
    %get3A_2 = arith.constant 0 : index
    %get3A_3 = arith.constant 0 : index
    %get3A_4 = vector.load %arg2[%get3A_2, %get3A_3] : memref<128x64xf32, #tpu.memory_space<vmem>>, vector<128x64xf32>
    %dot_general3A = arith.constant dense<0.000000e+00> : vector<2048x64xf32>
    %dot_general3A_5 = tpu.matmul %get3A_1, %get3A_4, %dot_general3A {dimension_numbers = #tpu.dot_dimension_numbers<[1], [0], [0], [1], [0, 0, 1, 1], [], []>, transpose_lhs_hint = false} : vector<2048x128xf32>, vector<128x64xf32>, vector<2048x64xf32> -> vector<2048x64xf32>
    %get3A_6 = arith.constant 0 : index
    %get3A_7 = arith.constant 0 : index
    %get3A_8 = vector.load %arg3[%get3A_6, %get3A_7] : memref<1x64xf32, #tpu.memory_space<vmem>>, vector<1x64xf32>
    %add3A = vector.broadcast %get3A_8 : vector<1x64xf32> to vector<2048x64xf32>
    %add3A_9 = arith.addf %dot_general3A_5, %add3A : vector<2048x64xf32>
    %tanh3A = math.tanh %add3A_9 : vector<2048x64xf32>
    %get3A_10 = arith.constant 0 : index
    %get3A_11 = arith.constant 0 : index
    %get3A_12 = vector.load %arg4[%get3A_10, %get3A_11] : memref<64x4xf32, #tpu.memory_space<vmem>>, vector<64x4xf32>
    %dot_general3A_13 = arith.constant dense<0.000000e+00> : vector<4x2048xf32>
    %dot_general3A_14 = tpu.matmul %get3A_12, %tanh3A, %dot_general3A_13 {dimension_numbers = #tpu.dot_dimension_numbers<[0], [1], [1], [0], [0, 1, 1, 0], [], []>, transpose_lhs_hint = false} : vector<64x4xf32>, vector<2048x64xf32>, vector<4x2048xf32> -> vector<4x2048xf32>
    %iota3A = tpu.iota {dimensions = array<i32: 1>} : vector<4x2048xi32>
    %mul3A = arith.constant 2048 : i32
    %mul3A_15 = arith.muli %arg0, %mul3A : i32
    %add3A_16 = vector.broadcast %mul3A_15 : i32 to vector<4x2048xi32>
    %add3A_17 = arith.addi %iota3A, %add3A_16 : vector<4x2048xi32>
    %lt3A = arith.constant 100000 : i32
    %lt3A_18 = vector.broadcast %lt3A : i32 to vector<4x2048xi32>
    %lt3A_19 = arith.cmpi slt, %add3A_17, %lt3A_18 : vector<4x2048xi32>
    %get3A_20 = arith.constant 0 : index
    %get3A_21 = arith.constant 0 : index
    %get3A_22 = vector.load %arg5[%get3A_20, %get3A_21] : memref<4x1xf32, #tpu.memory_space<vmem>>, vector<4x1xf32>
    %sub3A = vector.broadcast %get3A_22 : vector<4x1xf32> to vector<4x2048xf32>
    %sub3A_23 = arith.subf %dot_general3A_14, %sub3A : vector<4x2048xf32>
    %exp3A = math.exp %sub3A_23 : vector<4x2048xf32>
    %jit3A = arith.constant 0.000000e+00 : f32
    %broadcast_in_dim3A = vector.broadcast %jit3A : f32 to vector<4x2048xf32>
    %select_n3A = arith.select %lt3A_19, %exp3A, %broadcast_in_dim3A : vector<4x2048xi1>, vector<4x2048xf32>
    %reshape3A = vector.shape_cast %select_n3A : vector<4x2048xf32> to vector<1x4x2048xf32>
    %swap3A = arith.constant 0 : index
    %swap3A_24 = arith.constant 0 : index
    %swap3A_25 = arith.constant 0 : index
    %swap3A_26 = vector.load %arg6[%swap3A, %swap3A_24, %swap3A_25] : memref<1x4x2048xf32, #tpu.memory_space<vmem>>, vector<1x4x2048xf32>
    tpu.vector_store %arg6[%swap3A, %swap3A_24, %swap3A_25], %reshape3A {strides = array<i32>} : memref<1x4x2048xf32, #tpu.memory_space<vmem>>, vector<1x4x2048xf32>,
    return
  }
  func.func @transform_0(%arg0: i32) -> (i32, i32) {
    %c0_i32 = arith.constant 0 : i32
    %c0_i32_0 = arith.constant 0 : i32
    return %arg0, %c0_i32 : i32, i32
  }
  func.func @transform_1(%arg0: i32) -> (i32, i32) {
    %c0_i32 = arith.constant 0 : i32
    %c0_i32_0 = arith.constant 0 : i32
    %c0_i32_1 = arith.constant 0 : i32
    return %c0_i32, %c0_i32_0 : i32, i32
  }
  func.func @transform_2(%arg0: i32) -> (i32, i32) {
    %c0_i32 = arith.constant 0 : i32
    %c0_i32_0 = arith.constant 0 : i32
    %c0_i32_1 = arith.constant 0 : i32
    return %c0_i32, %c0_i32_0 : i32, i32
  }
  func.func @transform_3(%arg0: i32) -> (i32, i32) {
    %c0_i32 = arith.constant 0 : i32
    %c0_i32_0 = arith.constant 0 : i32
    %c0_i32_1 = arith.constant 0 : i32
    return %c0_i32, %c0_i32_0 : i32, i32
  }
  func.func @transform_4(%arg0: i32) -> (i32, i32) {
    %c0_i32 = arith.constant 0 : i32
    %c0_i32_0 = arith.constant 0 : i32
    %c0_i32_1 = arith.constant 0 : i32
    return %c0_i32, %c0_i32_0 : i32, i32
  }
  func.func @transform_5(%arg0: i32) -> (i32, i32, i32) {
    %c0_i32 = arith.constant 0 : i32
    %c0_i32_0 = arith.constant 0 : i32
    %c0_i32_1 = arith.constant 0 : i32
    return %arg0, %c0_i32, %c0_i32_0 : i32, i32, i32
  }
}

module attributes {stable_mosaic.version = 14 : i64} {
  func.func @_k2_body(%arg0: i32, %arg1: memref<2048x128xf32, #tpu.memory_space<vmem>>, %arg2: memref<1x1x2048xf32, #tpu.memory_space<vmem>>, %arg3: memref<1x1x2048xi32, #tpu.memory_space<vmem>>, %arg4: memref<256x128xf32, #tpu.memory_space<vmem>>, %arg5: memref<256x128xf32, #tpu.memory_space<vmem>>) attributes {dimension_semantics = [#tpu.dimension_semantics<arbitrary>], iteration_bounds = array<i64: 49>, scalar_prefetch = 0 : i64, scratch_operands = 1 : i64, tpu.core_type = #tpu.core_type<tc>, window_params = [{transform_indices = @transform_0, window_bounds = array<i64: 2048, 128>}, {transform_indices = @transform_1, window_bounds = array<i64: 1, 1, 2048>}, {transform_indices = @transform_2, window_bounds = array<i64: 1, 1, 2048>}, {pipeline_mode = #tpu.pipeline_mode<synchronous>, transform_indices = @transform_3, window_bounds = array<i64: 256, 128>}]} {
    %get3A = arith.constant 0 : index
    %get3A_0 = arith.constant 0 : index
    %get3A_1 = arith.constant 0 : index
    %get3A_2 = vector.load %arg3[%get3A, %get3A_0, %get3A_1] : memref<1x1x2048xi32, #tpu.memory_space<vmem>>, vector<1x1x2048xi32>
    %get3A_3 = vector.shape_cast %get3A_2 : vector<1x1x2048xi32> to vector<1x2048xi32>
    %get3A_4 = arith.constant 0 : index
    %get3A_5 = arith.constant 0 : index
    %get3A_6 = arith.constant 0 : index
    %get3A_7 = vector.load %arg2[%get3A_4, %get3A_5, %get3A_6] : memref<1x1x2048xf32, #tpu.memory_space<vmem>>, vector<1x1x2048xf32>
    %get3A_8 = vector.shape_cast %get3A_7 : vector<1x1x2048xf32> to vector<1x2048xf32>
    %get3A_9 = arith.constant 0 : index
    %get3A_10 = arith.constant 0 : index
    %get3A_11 = arith.constant 0 : index
    %get3A_12 = vector.load %arg3[%get3A_9, %get3A_10, %get3A_11] : memref<1x1x2048xi32, #tpu.memory_space<vmem>>, vector<1x1x1xi32>
    %get3A_13 = vector.extract %get3A_12[0, 0, 0] : i32 from vector<1x1x1xi32>
    %min3A = arith.constant 255 : i32
    %min3A_14 = arith.minsi %get3A_13, %min3A : i32
    %and3A = arith.constant -8 : i32
    %and3A_15 = arith.andi %min3A_14, %and3A : i32
    %min3A_16 = arith.constant 184 : i32
    %min3A_17 = arith.minsi %and3A_15, %min3A_16 : i32
    %get3A_18 = arith.constant 0 : index
    %get3A_19 = arith.constant 0 : index
    %get3A_20 = arith.constant 2047 : index
    %get3A_21 = vector.load %arg3[%get3A_18, %get3A_19, %get3A_20] : memref<1x1x2048xi32, #tpu.memory_space<vmem>>, vector<1x1x1xi32>
    %get3A_22 = vector.extract %get3A_21[0, 0, 0] : i32 from vector<1x1x1xi32>
    %sub3A = arith.subi %get3A_22, %min3A_17 : i32
    %lt3A = arith.constant 72 : i32
    %lt3A_23 = arith.cmpi slt, %sub3A, %lt3A : i32
    %iota3A = tpu.iota {dimensions = array<i32: 0>} : vector<2048x1xi32>
    %mul3A = arith.constant 2048 : i32
    %mul3A_24 = arith.muli %arg0, %mul3A : i32
    %add3A = vector.broadcast %mul3A_24 : i32 to vector<2048x1xi32>
    %add3A_25 = arith.addi %iota3A, %add3A : vector<2048x1xi32>
    %lt3A_26 = arith.constant 100000 : i32
    %lt3A_27 = vector.broadcast %lt3A_26 : i32 to vector<2048x1xi32>
    %lt3A_28 = arith.cmpi slt, %add3A_25, %lt3A_27 : vector<2048x1xi32>
    %get3A_29 = arith.constant 0 : index
    %get3A_30 = arith.constant 0 : index
    %get3A_31 = vector.load %arg1[%get3A_29, %get3A_30] : memref<2048x128xf32, #tpu.memory_space<vmem>>, vector<2048x128xf32>
    %jit3A = arith.constant 0.000000e+00 : f32
    %broadcast_in_dim3A = vector.shape_cast %lt3A_28 : vector<2048x1xi1> to vector<2048x1xi1>
    %broadcast_in_dim3A_32 = vector.broadcast %broadcast_in_dim3A : vector<2048x1xi1> to vector<2048x128xi1>
    %broadcast_in_dim3A_33 = vector.broadcast %jit3A : f32 to vector<2048x128xf32>
    %select_n3A = arith.select %broadcast_in_dim3A_32, %get3A_31, %broadcast_in_dim3A_33 : vector<2048x128xi1>, vector<2048x128xf32>
    %convert_element_type3A = arith.truncf %select_n3A : vector<2048x128xf32> to vector<2048x128xbf16>
    %eq3A = arith.constant 0 : i32
    %eq3A_34 = arith.cmpi eq, %arg0, %eq3A : i32
    %convert_element_type3A_35 = arith.extui %eq3A_34 : i1 to i32
    %cond3A = arith.constant 0 : i32
    %cond3A_36 = arith.cmpi ne, %convert_element_type3A_35, %cond3A : i32
    scf.if %cond3A_36 {
      %broadcast_in_dim3A_49 = arith.constant 0.000000e+00 : f32
      %broadcast_in_dim3A_50 = vector.broadcast %broadcast_in_dim3A_49 : f32 to vector<256x128xf32>
      %swap3A = arith.constant 0 : index
      %swap3A_51 = arith.constant 0 : index
      %swap3A_52 = vector.load %arg5[%swap3A, %swap3A_51] : memref<256x128xf32, #tpu.memory_space<vmem>>, vector<256x128xf32>
      tpu.vector_store %arg5[%swap3A, %swap3A_51], %broadcast_in_dim3A_50 {strides = array<i32>} : memref<256x128xf32, #tpu.memory_space<vmem>>, vector<256x128xf32>,
    } else {
    }
    %convert_element_type3A_37 = arith.extui %lt3A_23 : i1 to i32
    %cond3A_38 = arith.constant 0 : i32
    %cond3A_39 = arith.cmpi ne, %convert_element_type3A_37, %cond3A_38 : i32
    scf.if %cond3A_39 {
      %iota3A_49 = tpu.iota {dimensions = array<i32: 0>} : vector<72x2048xi32>
      %add3A_50 = vector.broadcast %min3A_17 : i32 to vector<72x2048xi32>
      %add3A_51 = arith.addi %iota3A_49, %add3A_50 : vector<72x2048xi32>
      %eq3A_52 = vector.broadcast %get3A_3 : vector<1x2048xi32> to vector<72x2048xi32>
      %eq3A_53 = arith.cmpi eq, %add3A_51, %eq3A_52 : vector<72x2048xi32>
      %convert_element_type3A_54 = arith.extui %eq3A_53 : vector<72x2048xi1> to vector<72x2048xi32>
      %convert_element_type3A_55 = arith.sitofp %convert_element_type3A_54 : vector<72x2048xi32> to vector<72x2048xf32>
      %convert_element_type3A_56 = arith.truncf %convert_element_type3A_55 : vector<72x2048xf32> to vector<72x2048xbf16>
      %convert_element_type3A_57 = arith.truncf %get3A_8 : vector<1x2048xf32> to vector<1x2048xbf16>
      %mul3A_58 = vector.broadcast %convert_element_type3A_57 : vector<1x2048xbf16> to vector<72x2048xbf16>
      %mul3A_59 = arith.mulf %convert_element_type3A_56, %mul3A_58 : vector<72x2048xbf16>
      %get3A_60 = arith.index_cast %min3A_17 : i32 to index
      %get3A_61 = arith.constant 0 : index
      %get3A_62 = vector.load %arg5[%get3A_60, %get3A_61] : memref<256x128xf32, #tpu.memory_space<vmem>>, vector<72x128xf32>
      %dot_general3A = arith.constant dense<0.000000e+00> : vector<72x128xf32>
      %dot_general3A_63 = tpu.matmul %mul3A_59, %convert_element_type3A, %dot_general3A {dimension_numbers = #tpu.dot_dimension_numbers<[1], [0], [0], [1], [0, 0, 1, 1], [], []>, transpose_lhs_hint = false} : vector<72x2048xbf16>, vector<2048x128xbf16>, vector<72x128xf32> -> vector<72x128xf32>
      %add3A_64 = arith.addf %get3A_62, %dot_general3A_63 : vector<72x128xf32>
      %swap3A = arith.index_cast %min3A_17 : i32 to index
      %swap3A_65 = arith.constant 0 : index
      %swap3A_66 = vector.load %arg5[%swap3A, %swap3A_65] : memref<256x128xf32, #tpu.memory_space<vmem>>, vector<72x128xf32>
      tpu.vector_store %arg5[%swap3A, %swap3A_65], %add3A_64 {strides = array<i32>} : memref<256x128xf32, #tpu.memory_space<vmem>>, vector<72x128xf32>,
    } else {
    }
    %not3A = arith.constant true
    %not3A_40 = arith.xori %lt3A_23, %not3A : i1
    %convert_element_type3A_41 = arith.extui %not3A_40 : i1 to i32
    %cond3A_42 = arith.constant 0 : i32
    %cond3A_43 = arith.cmpi ne, %convert_element_type3A_41, %cond3A_42 : i32
    scf.if %cond3A_43 {
      %iota3A_49 = tpu.iota {dimensions = array<i32: 0>} : vector<256x2048xi32>
      %add3A_50 = arith.constant 0 : i32
      %add3A_51 = vector.broadcast %add3A_50 : i32 to vector<256x2048xi32>
      %add3A_52 = arith.addi %iota3A_49, %add3A_51 : vector<256x2048xi32>
      %eq3A_53 = vector.broadcast %get3A_3 : vector<1x2048xi32> to vector<256x2048xi32>
      %eq3A_54 = arith.cmpi eq, %add3A_52, %eq3A_53 : vector<256x2048xi32>
      %convert_element_type3A_55 = arith.extui %eq3A_54 : vector<256x2048xi1> to vector<256x2048xi32>
      %convert_element_type3A_56 = arith.sitofp %convert_element_type3A_55 : vector<256x2048xi32> to vector<256x2048xf32>
      %convert_element_type3A_57 = arith.truncf %convert_element_type3A_56 : vector<256x2048xf32> to vector<256x2048xbf16>
      %convert_element_type3A_58 = arith.truncf %get3A_8 : vector<1x2048xf32> to vector<1x2048xbf16>
      %mul3A_59 = vector.broadcast %convert_element_type3A_58 : vector<1x2048xbf16> to vector<256x2048xbf16>
      %mul3A_60 = arith.mulf %convert_element_type3A_57, %mul3A_59 : vector<256x2048xbf16>
      %get3A_61 = arith.constant 0 : index
      %get3A_62 = arith.constant 0 : index
      %get3A_63 = vector.load %arg5[%get3A_61, %get3A_62] : memref<256x128xf32, #tpu.memory_space<vmem>>, vector<256x128xf32>
      %dot_general3A = arith.constant dense<0.000000e+00> : vector<256x128xf32>
      %dot_general3A_64 = tpu.matmul %mul3A_60, %convert_element_type3A, %dot_general3A {dimension_numbers = #tpu.dot_dimension_numbers<[1], [0], [0], [1], [0, 0, 1, 1], [], []>, transpose_lhs_hint = false} : vector<256x2048xbf16>, vector<2048x128xbf16>, vector<256x128xf32> -> vector<256x128xf32>
      %add3A_65 = arith.addf %get3A_63, %dot_general3A_64 : vector<256x128xf32>
      %swap3A = arith.constant 0 : index
      %swap3A_66 = arith.constant 0 : index
      %swap3A_67 = vector.load %arg5[%swap3A, %swap3A_66] : memref<256x128xf32, #tpu.memory_space<vmem>>, vector<256x128xf32>
      tpu.vector_store %arg5[%swap3A, %swap3A_66], %add3A_65 {strides = array<i32>} : memref<256x128xf32, #tpu.memory_space<vmem>>, vector<256x128xf32>,
    } else {
    }
    %eq3A_44 = arith.constant 48 : i32
    %eq3A_45 = arith.cmpi eq, %arg0, %eq3A_44 : i32
    %convert_element_type3A_46 = arith.extui %eq3A_45 : i1 to i32
    %cond3A_47 = arith.constant 0 : i32
    %cond3A_48 = arith.cmpi ne, %convert_element_type3A_46, %cond3A_47 : i32
    scf.if %cond3A_48 {
      %get3A_49 = arith.constant 0 : index
      %get3A_50 = arith.constant 0 : index
      %get3A_51 = vector.load %arg5[%get3A_49, %get3A_50] : memref<256x128xf32, #tpu.memory_space<vmem>>, vector<256x128xf32>
      %swap3A = arith.constant 0 : index
      %swap3A_52 = arith.constant 0 : index
      %swap3A_53 = vector.load %arg4[%swap3A, %swap3A_52] : memref<256x128xf32, #tpu.memory_space<vmem>>, vector<256x128xf32>
      tpu.vector_store %arg4[%swap3A, %swap3A_52], %get3A_51 {strides = array<i32>} : memref<256x128xf32, #tpu.memory_space<vmem>>, vector<256x128xf32>,
    } else {
    }
    return
  }
  func.func @transform_0(%arg0: i32) -> (i32, i32) {
    %c0_i32 = arith.constant 0 : i32
    %c0_i32_0 = arith.constant 0 : i32
    return %arg0, %c0_i32 : i32, i32
  }
  func.func @transform_1(%arg0: i32) -> (i32, i32, i32) {
    %c0_i32 = arith.constant 0 : i32
    %c0_i32_0 = arith.constant 0 : i32
    %c0_i32_1 = arith.constant 0 : i32
    return %arg0, %c0_i32, %c0_i32_0 : i32, i32, i32
  }
  func.func @transform_2(%arg0: i32) -> (i32, i32, i32) {
    %c0_i32 = arith.constant 0 : i32
    %c0_i32_0 = arith.constant 0 : i32
    %c0_i32_1 = arith.constant 0 : i32
    return %arg0, %c0_i32, %c0_i32_0 : i32, i32, i32
  }
  func.func @transform_3(%arg0: i32) -> (i32, i32) {
    %c0_i32 = arith.constant 0 : i32
    %c0_i32_0 = arith.constant 0 : i32
    %c0_i32_1 = arith.constant 0 : i32
    return %c0_i32, %c0_i32_0 : i32, i32
  }
}

</mosaic_0001>

<sc_bundles>
// kernel: kernel.5.cloned.1.call-start
scs
__scs_entry_jumppad:
0x0: {  	(pc) =	sbr.rel $0x88, $3  }
0x1: {  	(tag) =	ssettag $0x0;
	lr =	simm.s32 $0x1  }
0x2: {  	[smem:$0x3F9C] =	sst lr;
	_ =	strace $0xD0000000  }
0x3: {  	_ = 	snop  }
0x4: {  	_ = 	snop  }
0x5: {  	_ = 	snop  }
0x6: {  	_ = 	snop  }
0x7: {  	_ = 	snop  }
__scs_overlays_trampoline_lowered:
0x8: {  	[smem:$0x3FAB] =	sst s0  }
0x9: {  	[smem:$0x3FAC] =	sst s1  }
0xa: {  	[smem:$0x3FAD] =	sst s2  }
0xb: {  	[smem:$0x3FAE] =	sst s3  }
0xc: {  	[smem:$0x3FAF] =	sst s4  }
0xd: {  	[smem:$0x3FB0] =	sst s5  }
0xe: {  	[smem:$0x3FB1] =	sst s6  }
0xf: {  	[smem:$0x3FB2] =	sst s7  }
0x10: {  	[smem:$0x3FB3] =	sst s8  }
0x11: {  	[smem:$0x3FB4] =	sst s9;
	s0 =	simm.s32 @!p0 $0x0  }
0x12: {  	s1 =	sld [smem:$0x3F9A];
	s0 =	simm.s32 @p0 $0x1  }
0x13: {  	[smem:$0x3FB5] =	sst s0;
	s0 =	simm.s32 @!p1 $0x0  }
0x14: {  	s2 =	sld [smem:$0x3F99];
	s0 =	simm.s32 @p1 $0x1  }
0x15: {  	[smem:$0x3FB6] =	sst s0;
	s0 =	simm.s32 @!p2 $0x0  }
0x16: {  	s3 =	sld [smem:$0x3FDB];
	s0 =	simm.s32 @p2 $0x1  }
0x17: {  	s4 =	simm.s32 $0x1BF5;
	[smem:$0x3FB8] =	sst s0  }
0x18: {  	s0 =	sld [smem:$0x3F9B];
	_ =	swait.ge [sflag:s4], $0x0  }
0x19: {  	s7 =	sld [smem:$0x3F9C]  }
0x1a: {  	s8 =	sadd.s32 $0xFFFFE003, lr  }
0x1b: {  	s9 =	sadd.s32 $0xFFFFFEF7, lr;
	s5 =	simm.s32 $0xFFFFFFFF;
	p2 =	slt.u32 s8, $0xFFFFF086  }
0x1c: {  	p1 =	slt.u32 s9, $0xF7A;
	s5 =	simm.s32 @!p2 $0x0  }
0x1d: {  	s5 =	simm.s32 @p1 $0x1;
	p0 =	seq.s32 s7, s2  }
0x1e: {  	s7 =	smul.u32 @!p0 $0xF7A, s2;
	p2 =	seq.s32 @!p0 s5, $0x0  }
0x1f: {  	s9 =	smul.u32 $0xF7A, s1;
	s8 =	simm.s32 @!p0 $0x1BF5;
	p2 =	por !p2, p0  }
0x20: {  	[sflag:s8] =	ssyncset.s32 @!p0 $0xFFFFF086;
	s6 =	sadd.s32 @!p0 s3, s7;
	s7 =	simm.s32 @!p0 $0x108  }
0x21: {  	s3 =	sadd.s32 s3, s9;
	s6 =	sadd.s32 @!p0 $0x88, s6;
	s7 =	simm.s32 @p2 $0x1082  }
0x22: {  	[simem:s7], [sflag:s8] =	dma.local @!p0 [hbm:s6], $0xF7A  }
0x23: {  	s9 =	sor.u32 $0xD0000000, s2;
	s6 =	simm.s32 $0x108;
	_ =	swait.ge @!p0 [sflag:s8], $0x0  }
0x24: {  	s3 =	sadd.s32 $0x88, s3;
	s6 =	simm.s32 @!p1 $0x1082;
	[sflag:s4] =	ssyncset.s32 $0xFFFFF086  }
0x25: {  	[simem:s6], [sflag:s4] =	dma.local [hbm:s3], $0xF7A  }
0x26: {  	[smem:$0x3F9C] =	sst s1;
	(tag) =	ssettag s2;
	_ =	strace s9  }
0x27: {  	s1 =	sld [smem:$0x3FAC]  }
0x28: {  	s2 =	sld [smem:$0x3FAD]  }
0x29: {  	s4 =	sld [smem:$0x3FAF]  }
0x2a: {  	p0 =	seq.s32 s5, $0x0;
	s5 =	sld [smem:$0x3FB0]  }
0x2b: {  	s6 =	sld [smem:$0x3FB1]  }
0x2c: {  	s7 =	sld [smem:$0x3FB2]  }
0x2d: {  	s3 =	simm.s32 $0x108;
	s8 =	sld [smem:$0x3FB3]  }
0x2e: {  	s3 =	simm.s32 @!p0 $0x1082;
	s9 =	sld [smem:$0x3FB4]  }
0x2f: {  	lr =	sadd.s32 s0, s3;
	s0 =	sld [smem:$0x3FAB]  }
0x30: {  	s3 =	sld [smem:$0x3FAE]  }
0x31: {  	[smem:$0x3FB7] =	sst s10  }
0x32: {  	s10 =	sld [smem:$0x3FB5];
	_ =	sdelay $0x3  }
0x33: {  	p0 =	seq.s32 s10, $0x1;
	s10 =	sld [smem:$0x3FB7];
	_ =	sdelay $0x3  }
0x34: {  	[smem:$0x3FB7] =	sst s10  }
0x35: {  	s10 =	sld [smem:$0x3FB6];
	_ =	sdelay $0x3  }
0x36: {  	p1 =	seq.s32 s10, $0x1;
	s10 =	sld [smem:$0x3FB7];
	_ =	sdelay $0x3  }
0x37: {  	[smem:$0x3FB7] =	sst s10  }
0x38: {  	s10 =	sld [smem:$0x3FB8]  }
0x39: {  	_ = 	snop;
	(pc) =	sbr.ind lr, $3  }
0x3a: {  	_ = 	snop  }
0x3b: {  	_ = 	snop  }
0x3c: {  	p2 =	seq.s32 s10, $0x1;
	s10 =	sld [smem:$0x3FB7]  }
0x3d: {  	_ =	shalt  }
0x3e: {  	_ =	shalt  }
0x3f: {  	_ =	shalt  }
0x40: {  	_ =	shalt  }
0x41: {  	_ =	shalt  }
0x42: {  	_ =	shalt  }
0x43: {  	_ =	shalt  }
0x44: {  	_ =	shalt  }
0x45: {  	_ =	shalt  }
0x46: {  	_ =	shalt  }
0x47: {  	_ =	shalt  }
0x48: {  	_ =	shalt  }
0x49: {  	_ =	shalt  }
0x4a: {  	_ =	shalt  }
0x4b: {  	_ =	shalt  }
0x4c: {  	_ =	shalt  }
0x4d: {  	_ =	shalt  }
0x4e: {  	_ =	shalt  }
0x4f: {  	_ =	shalt  }
0x50: {  	_ =	shalt  }
0x51: {  	_ =	shalt  }
0x52: {  	_ =	shalt  }
0x53: {  	_ =	shalt  }
0x54: {  	_ =	shalt  }
0x55: {  	_ =	shalt  }
0x56: {  	_ =	shalt  }
0x57: {  	_ =	shalt  }
0x58: {  	_ =	shalt  }
0x59: {  	_ =	shalt  }
0x5a: {  	_ =	shalt  }
0x5b: {  	_ =	shalt  }
0x5c: {  	_ =	shalt  }
0x5d: {  	_ =	shalt  }
0x5e: {  	_ =	shalt  }
0x5f: {  	_ =	shalt  }
0x60: {  	_ =	shalt  }
0x61: {  	_ =	shalt  }
0x62: {  	_ =	shalt  }
0x63: {  	_ =	shalt  }
0x64: {  	_ =	shalt  }
0x65: {  	_ =	shalt  }
0x66: {  	_ =	shalt  }
0x67: {  	_ =	shalt  }
0x68: {  	_ =	shalt  }
0x69: {  	_ =	shalt  }
0x6a: {  	_ =	shalt  }
0x6b: {  	_ =	shalt  }
0x6c: {  	_ =	shalt  }
0x6d: {  	_ =	shalt  }
0x6e: {  	_ =	shalt  }
0x6f: {  	_ =	shalt  }
0x70: {  	_ =	shalt  }
0x71: {  	_ =	shalt  }
0x72: {  	_ =	shalt  }
0x73: {  	_ =	shalt  }
0x74: {  	_ =	shalt  }
0x75: {  	_ =	shalt  }
0x76: {  	_ =	shalt  }
0x77: {  	_ =	shalt  }
0x78: {  	_ =	shalt  }
0x79: {  	_ =	shalt  }
0x7a: {  	_ =	shalt  }
0x7b: {  	_ =	shalt  }
0x7c: {  	_ =	shalt  }
0x7d: {  	_ =	shalt  }
0x7e: {  	_ =	shalt  }
0x7f: {  	_ =	shalt  }
0x80: {  	_ =	shalt  }
0x81: {  	_ =	shalt  }
0x82: {  	_ =	shalt  }
0x83: {  	_ =	shalt  }
0x84: {  	_ =	shalt  }
0x85: {  	_ =	shalt  }
0x86: {  	_ =	shalt  }
0x87: {  	_ =	shalt  }
.Lfunc_end0:
.L_simem_size_0:
called_computation_lowered:
.L_overlay_start_0:
0x88: {  	s2 =	sld [smem:$0x3FD9]  }
0x89: {  	s3 =	sld [smem:$0x3FFE];
	_ =	sdelay $0x1  }
0x8a: {  	s1 =	srdreg.scid  }
0x8b: {  	s0 =	sand.u32 $0x1, s1  }
0x8c: {  	s16 =	sshll.u32 s0, $0xA;
	s2 =	sadd.s32 s3, s2  }
0x8d: {  	s2 =	sadd.s32 s2, s16  }
0x8e: {  	[smem:$0x3FC3] =	sst s2  }
0x8f: {  	_ = 	snop  }
0x90: {  	(tm) =	ssettm $0x1  }
0x91: {  	s17 =	sld [smem:$0x3FFB];
	_ =	sdelay $0x3  }
0x92: {  	_ =	strace s17  }
0x93: {  	s2 =	sld [smem:$0x3FFC];
	_ =	sdelay $0x3  }
0x94: {  	_ =	strace s2  }
0x95: {  	s2 =	sld [smem:$0x3FFD];
	_ =	sdelay $0x3  }
0x96: {  	_ =	strace s2  }
0x97: {  	_ =	strace $0x8FFFFFFF  }
0x98: {  	s18 =	sld [smem:$0x3FDB];
	_ =	sdelay $0x1  }
0x99: {  	s19 =	simm.s32 $_scs_section_size  }
0x9a: {  	s4 =	simm.s32 $_size__tile_overlayer_lowered;
	s5 =	simm.s32 $_tile_overlayer_lowered  }
0x9b: {  	s22 =	simm.s32 $0x1BFF;
	s21 =	sshll.u32 s5, $0x1;
	s2 =	sadd.s32 s19, s18  }
0x9c: {  	s6 =	simm.s32 $0x0;
	s20 =	sshll.u32 s4, $0x1;
	s4 =	sadd.s32 s21, s2  }
0x9d: {  	[timem:s6], [sflag:s22] =	dma.local [hbm:s4], s20  }
0x9e: {  	_ =	swait.ge [sflag:s22], s20  }
0x9f: {  	s3 =	ssub.s32 $0x0, s20;
	[sflag:s22] =	ssyncset.done $0x0  }
0xa0: {  	[sflag:s22] =	ssyncadd.s32 s3;
	_ =	sdelay $0x1  }
0xa1: {  	s23 =	simm.s32 $0x1B8B  }
0xa2: {  	_ =	swait.ge [sflag:s23], $0x1  }
0xa3: {  	[sflag:s23] =	ssyncset.done $0x0  }
0xa4: {  	s25 =	simm.s32 $0x1B8E;
	s24 =	sld [smem:$0x3FFE];
	[sflag:s23] =	ssyncadd.s32 $0xFFFFFFFF  }
0xa5: {  	s26 =	simm.s32 $execute0_lowered;
	[smem:$0x3FD2] =	sst s25  }
0xa6: {  	s4 =	sshll.u32 s26, $0x1;
	_ =	strace $0x80000046;
	[dreg:$0x1] =	wrdreg $0xFFFFFFFF  }
0xa7: {  	s28 =	simm.s32 $_size_execute0_lowered;
	s2 =	sadd.s32 s2, s4;
	[dreg:$0x0] =	wrdreg $0x0  }
0xa8: {  	s4 =	sshll.u32 s28, $0x1;
	[dreg:$0x2] =	wrdreg s2  }
0xa9: {  	[dreg:$0x3] =	wrdreg s4  }
0xaa: {  	[dreg:$0x4] =	wrdreg $0xC0  }
0xab: {  	_ =	task [dreg:s6], $0x5FFFF  }
0xac: {  	[dreg:$0x1] =	wrdreg $0xFFFFFFFF  }
0xad: {  	[dreg:$0x0] =	wrdreg $0x60  }
0xae: {  	[dreg:$0x2] =	wrdreg s24  }
0xaf: {  	[dreg:$0x3] =	wrdreg $0x97800  }
0xb0: {  	[dreg:$0x4] =	wrdreg $0x97980  }
0xb1: {  	[dreg:$0x5] =	wrdreg $0x97B00  }
0xb2: {  	[dreg:$0x6] =	wrdreg $0x97C80  }
0xb3: {  	[dreg:$0x7] =	wrdreg $0x9  }
0xb4: {  	_ =	task.clear_ibuf [dreg:s6], $0x8FFFF;
	_ =	strace $0x90000046  }
0xb5: {  	s29 =	simm.s32 $0x9;
	_ =	strace $0x80000048  }
0xb6: {  	_ =	swait.ge [sflag:s29], $0x1  }
0xb7: {  	[sflag:s29] =	ssyncadd.s32 $0xFFFFFFFF  }
0xb8: {  	_ =	strace $0x90000048  }
0xb9: {  	_ =	sfence  }
0xba: {  	s30 =	sld [smem:$0x0];
	_ =	sdelay $0x2  }
0xbb: {  	s31 =	sshll.u32 s1, $0xD;
	s1 =	sshrl.u32 s1, $0x2  }
0xbc: {  	s3 =	sand.u32 $0x4000, s31;
	s1 =	sadd.s32 s1, s30  }
0xbd: {  	s0 =	sor.u32 s3, s0;
	s1 =	sshll.u32 s1, $0x11  }
0xbe: {  	s0 =	sor.u32 s1, s0  }
0xbf: {  	s0 =	sadd.s32 $0x8F2B, s0  }
0xc0: {  	[sflag:s0] =	ssyncadd.remote.s32 $0x1  }
0xc1: {  	_ =	sfence.sel $0xFFFF  }
0xc2: {  	[dreg:$0x0] =	wrdreg $0xFFFFFFFF;
	(pc) =	sbr.abs _section_cstart, $3  }
0xc3: {  	[dreg:$0x1] =	wrdreg $0xFFFFFFFF  }
0xc4: {  	_ =	task.clear_ibuf [dreg:s6], $0x2FFFF;
	_ =	strace $0x9FFFFFFF  }
0xc5: {  	(tm) =	ssettm $0x7FFFFFFF  }
tec
execute0_lowered:
.L_overlay_start_1:
0x0: {  	(tag) =	ssettag $0x1  }
0x1: {  	s0 =	rddreg [dreg:$0x0]  }
0x2: {  	s1 =	rddreg [dreg:$0x1]  }
0x3: {  	s2 =	rddreg [dreg:$0x2]  }
0x4: {  	s3 =	rddreg [dreg:$0x3]  }
0x5: {  	s4 =	rddreg [dreg:$0x4];
	s6 =	srdreg.scid  }
0x6: {  	s5 =	simm.s32 $0x0;
	s23 =	stileid.u32;
	s24 =	simm.s32 $0x1  }
0x7: {  	s25 =	simm.s32 $0xC40;
	s26 =	simm.s32 $0x4B00;
	s6 =	sand.u32 $0x1, s6  }
0x8: {  	[smem:$0x7FF] =	sst s5;
	s17 =	sadd.s32 $0xA000, s0;
	s18 =	sadd.s32 $0x6E00, s0  }
0x9: {  	s19 =	sadd.s32 $0x3C00, s0;
	s21 =	sadd.s32 $0xA00, s0;
	s10 =	smul.u32 $0x188, s23  }
0xa: {  	s16 =	sadd.s32 $0xD200, s0;
	s9 =	smul.u32 $0xC40, s23;
	p0 =	sne.s32 s23, $0x0  }
0xb: {  	s7 =	sshll.u32 s6, $0x4;
	_ =	strace $0x80000047;
	s6 =	ssub.s32 $0x2, s6  }
0xc: {  	s7 =	sor.u32 s23, s7;
	s30 =	sshrl.u32 s6, $0x1;
	s31 =	sadd.s32 s16, s10  }
0xd: {  	s8 =	sadd.s32 s18, s10;
	s11 =	sshrl.u32 s9, $0x3;
	s9 =	sadd.s32 s19, s10  }
0xe: {  	s23 =	simm.s32 $0xC80;
	s20 =	smul.u32 $0x188, s7;
	s6 =	ssub.s32 s6, s30  }
0xf: {  	[dreg:$0x6] =	wrdreg s31;
	s7 =	sadd.s32 s17, s10;
	s15 =	sadd.s32 $0x1880, s11  }
0x10: {  	s10 =	sadd.s32 s21, s10;
	s11 =	sadd.s32 s16, s15;
	s12 =	sadd.s32 s17, s15  }
0x11: {  	s13 =	sadd.s32 s18, s15;
	s14 =	sadd.s32 s19, s15;
	s15 =	sadd.s32 s21, s15  }
0x12: {  	s22 =	smax.u32 s6, $0x1;
	s0 =	sadd.s32 s20, s0;
	s16 =	sadd.s32 s16, s20  }
0x13: {  	s17 =	sadd.s32 s17, s20;
	s18 =	sadd.s32 s18, s20;
	s19 =	sadd.s32 s19, s20  }
0x14: {  	s20 =	sadd.s32 s21, s20;
	s21 =	sadd.s32 $0x10400, s0;
	s0 =	simm.s32 $0x0  }
.LBB2_1:
0x15: {  	v0 =	vimm.f32 @!p0 $0.0e+00  }
0x16: {  	[tilespmem:$0x9600] =	vst @!p0 v0  }
0x17: {  	[tilespmem:$0x9610] =	vst @!p0 v0  }
0x18: {  	[tilespmem:$0x9620] =	vst @!p0 v0  }
0x19: {  	[tilespmem:$0x9630] =	vst @!p0 v0  }
0x1a: {  	[tilespmem:$0x9640] =	vst @!p0 v0  }
0x1b: {  	[tilespmem:$0x9650] =	vst @!p0 v0  }
0x1c: {  	[tilespmem:$0x9660] =	vst @!p0 v0  }
0x1d: {  	[tilespmem:$0x9670] =	vst @!p0 v0  }
0x1e: {  	[tilespmem:$0x9680] =	vst @!p0 v0  }
0x1f: {  	[tilespmem:$0x9690] =	vst @!p0 v0  }
0x20: {  	[tilespmem:$0x96A0] =	vst @!p0 v0  }
0x21: {  	[tilespmem:$0x96B0] =	vst @!p0 v0  }
0x22: {  	[tilespmem:$0x96C0] =	vst @!p0 v0  }
0x23: {  	[tilespmem:$0x96D0] =	vst @!p0 v0  }
0x24: {  	[tilespmem:$0x96E0] =	vst @!p0 v0  }
0x25: {  	s6 =	simm.s32 @!p0 $0x9600;
	s28 =	simm.s32 @!p0 $0x1;
	[tilespmem:$0x96F0] =	vst @!p0 v0  }
0x26: {  	[spmem:s1] =	stream.linear.scatter @!p0 [tilespmem:s6], [sflag:$0x1], $0x180, $0x38;
	[tilespmem:$0x97E0] =	vst v63  }
0x27: {  	_ =	swait.ge @!p0 [sflag:s28], $0x180  }
0x28: {  	[sflag:s28] =	ssyncset.done @!p0 $0x0  }
0x29: {  	[sflag:s28] =	ssyncadd.s32 @!p0 $0xFFFFFE80  }
0x2a: {  	[spmem:s2] =	stream.linear.scatter @!p0 [tilespmem:s6], [sflag:$0x1], $0x180, $0x38;
	[tilespmem:$0x97E0] =	vst v63  }
0x2b: {  	_ =	swait.ge @!p0 [sflag:s28], $0x180  }
0x2c: {  	[sflag:s28] =	ssyncset.done @!p0 $0x0  }
0x2d: {  	[sflag:s28] =	ssyncadd.s32 @!p0 $0xFFFFFE80  }
0x2e: {  	[spmem:s3] =	stream.linear.scatter @!p0 [tilespmem:s6], [sflag:$0x1], $0x180, $0x38;
	[tilespmem:$0x97E0] =	vst v63  }
0x2f: {  	_ =	swait.ge @!p0 [sflag:s28], $0x180  }
0x30: {  	[sflag:s28] =	ssyncset.done @!p0 $0x0  }
0x31: {  	[sflag:s28] =	ssyncadd.s32 @!p0 $0xFFFFFE80  }
0x32: {  	[spmem:s4] =	stream.linear.scatter @!p0 [tilespmem:s6], [sflag:$0x1], $0x180, $0x38;
	[tilespmem:$0x97E0] =	vst v63  }
0x33: {  	_ =	swait.ge @!p0 [sflag:s28], $0x180  }
0x34: {  	[sflag:s28] =	ssyncset.done @!p0 $0x0  }
0x35: {  	[sflag:s28] =	ssyncadd.s32 @!p0 $0xFFFFFE80  }
0x36: {  	[bflag:$0x0] =	sbarrier.arrive $0xFFFF  }
0x37: {  	s6 =	rddreg [dreg:$0x6]  }
0x38: {  	[tilespmem:s23], [sflag:$0x1] =	stream.linear.gather [hbm4b:s6+s5], $0xC40, $0x38;
	[tilespmem:$0x97E0] =	vst v63  }
0x39: {  	_ =	swait.ge [sflag:s24], $0xC40  }
0x3a: {  	[sflag:s24] =	ssyncset.done $0x0  }
0x3b: {  	[sflag:s24] =	ssyncadd.s32 $0xFFFFF3C0  }
0x3c: {  	[tilespmem:s5], [sflag:$0x1] =	stream.linear.gather [hbm4b:s7+s5], $0xC40, $0x38;
	[tilespmem:$0x97E0] =	vst v63  }
0x3d: {  	_ =	swait.ge [sflag:s24], $0xC40  }
0x3e: {  	[sflag:s24] =	ssyncset.done $0x0  }
0x3f: {  	[sflag:s24] =	ssyncadd.s32 $0xFFFFF3C0  }
0x40: {  	[spmem:s1] =	stream.indirect.scatter.add.f32 [tilespmem:s5], [sflag:$0x1], $0x1, s23, s25, $0xb8;
	[tilespmem:$0x97E0] =	vst v63  }
0x41: {  	_ =	swait.ge [sflag:s24], $0xC40  }
0x42: {  	[sflag:s24] =	ssyncset.done $0x0  }
0x43: {  	[sflag:s24] =	ssyncadd.s32 $0xFFFFF3C0  }
0x44: {  	[tilespmem:s5], [sflag:$0x1] =	stream.linear.gather [hbm4b:s8+s5], $0xC40, $0x38;
	[tilespmem:$0x97E0] =	vst v63  }
0x45: {  	_ =	swait.ge [sflag:s24], $0xC40  }
0x46: {  	[sflag:s24] =	ssyncset.done $0x0  }
0x47: {  	[sflag:s24] =	ssyncadd.s32 $0xFFFFF3C0  }
0x48: {  	[spmem:s2] =	stream.indirect.scatter.add.f32 [tilespmem:s5], [sflag:$0x1], $0x1, s23, s25, $0xb8;
	[tilespmem:$0x97E0] =	vst v63  }
0x49: {  	_ =	swait.ge [sflag:s24], $0xC40  }
0x4a: {  	[sflag:s24] =	ssyncset.done $0x0  }
0x4b: {  	[sflag:s24] =	ssyncadd.s32 $0xFFFFF3C0  }
0x4c: {  	[tilespmem:s5], [sflag:$0x1] =	stream.linear.gather [hbm4b:s9+s5], $0xC40, $0x38;
	[tilespmem:$0x97E0] =	vst v63  }
0x4d: {  	_ =	swait.ge [sflag:s24], $0xC40  }
0x4e: {  	[sflag:s24] =	ssyncset.done $0x0  }
0x4f: {  	[sflag:s24] =	ssyncadd.s32 $0xFFFFF3C0  }
0x50: {  	[spmem:s3] =	stream.indirect.scatter.add.f32 [tilespmem:s5], [sflag:$0x1], $0x1, s23, s25, $0xb8;
	[tilespmem:$0x97E0] =	vst v63  }
0x51: {  	_ =	swait.ge [sflag:s24], $0xC40  }
0x52: {  	[sflag:s24] =	ssyncset.done $0x0  }
0x53: {  	[sflag:s24] =	ssyncadd.s32 $0xFFFFF3C0  }
0x54: {  	[tilespmem:s5], [sflag:$0x1] =	stream.linear.gather [hbm4b:s10+s5], $0xC40, $0x38;
	[tilespmem:$0x97E0] =	vst v63  }
0x55: {  	_ =	swait.ge [sflag:s24], $0xC40  }
0x56: {  	[sflag:s24] =	ssyncset.done $0x0  }
0x57: {  	[sflag:s24] =	ssyncadd.s32 $0xFFFFF3C0  }
0x58: {  	[spmem:s4] =	stream.indirect.scatter.add.f32 [tilespmem:s5], [sflag:$0x1], $0x1, s23, s25, $0xb8;
	[tilespmem:$0x97E0] =	vst v63  }
0x59: {  	_ =	swait.ge [sflag:s24], $0xC40  }
0x5a: {  	[sflag:s24] =	ssyncset.done $0x0  }
0x5b: {  	[sflag:s24] =	ssyncadd.s32 $0xFFFFF3C0  }
0x5c: {  	[tilespmem:s23], [sflag:$0x1] =	stream.linear.gather [hbm4b:s11+s5], $0xC40, $0x38;
	[tilespmem:$0x97E0] =	vst v63  }
0x5d: {  	_ =	swait.ge [sflag:s24], $0xC40  }
0x5e: {  	[sflag:s24] =	ssyncset.done $0x0  }
0x5f: {  	[sflag:s24] =	ssyncadd.s32 $0xFFFFF3C0  }
0x60: {  	[tilespmem:s5], [sflag:$0x1] =	stream.linear.gather [hbm4b:s12+s5], $0xC40, $0x38;
	[tilespmem:$0x97E0] =	vst v63  }
0x61: {  	_ =	swait.ge [sflag:s24], $0xC40  }
0x62: {  	[sflag:s24] =	ssyncset.done $0x0  }
0x63: {  	[sflag:s24] =	ssyncadd.s32 $0xFFFFF3C0  }
0x64: {  	[spmem:s1] =	stream.indirect.scatter.add.f32 [tilespmem:s5], [sflag:$0x1], $0x1, s23, s25, $0xb8;
	[tilespmem:$0x97E0] =	vst v63  }
0x65: {  	_ =	swait.ge [sflag:s24], $0xC40  }
0x66: {  	[sflag:s24] =	ssyncset.done $0x0  }
0x67: {  	[sflag:s24] =	ssyncadd.s32 $0xFFFFF3C0  }
0x68: {  	[tilespmem:s5], [sflag:$0x1] =	stream.linear.gather [hbm4b:s13+s5], $0xC40, $0x38;
	[tilespmem:$0x97E0] =	vst v63  }
0x69: {  	_ =	swait.ge [sflag:s24], $0xC40  }
0x6a: {  	[sflag:s24] =	ssyncset.done $0x0  }
0x6b: {  	[sflag:s24] =	ssyncadd.s32 $0xFFFFF3C0  }
0x6c: {  	[spmem:s2] =	stream.indirect.scatter.add.f32 [tilespmem:s5], [sflag:$0x1], $0x1, s23, s25, $0xb8;
	[tilespmem:$0x97E0] =	vst v63  }
0x6d: {  	_ =	swait.ge [sflag:s24], $0xC40  }
0x6e: {  	[sflag:s24] =	ssyncset.done $0x0  }
0x6f: {  	[sflag:s24] =	ssyncadd.s32 $0xFFFFF3C0  }
0x70: {  	[tilespmem:s5], [sflag:$0x1] =	stream.linear.gather [hbm4b:s14+s5], $0xC40, $0x38;
	[tilespmem:$0x97E0] =	vst v63  }
0x71: {  	_ =	swait.ge [sflag:s24], $0xC40  }
0x72: {  	[sflag:s24] =	ssyncset.done $0x0  }
0x73: {  	[sflag:s24] =	ssyncadd.s32 $0xFFFFF3C0  }
0x74: {  	[spmem:s3] =	stream.indirect.scatter.add.f32 [tilespmem:s5], [sflag:$0x1], $0x1, s23, s25, $0xb8;
	[tilespmem:$0x97E0] =	vst v63  }
0x75: {  	_ =	swait.ge [sflag:s24], $0xC40  }
0x76: {  	[sflag:s24] =	ssyncset.done $0x0  }
0x77: {  	[sflag:s24] =	ssyncadd.s32 $0xFFFFF3C0  }
0x78: {  	[tilespmem:s5], [sflag:$0x1] =	stream.linear.gather [hbm4b:s15+s5], $0xC40, $0x38;
	[tilespmem:$0x97E0] =	vst v63  }
0x79: {  	_ =	swait.ge [sflag:s24], $0xC40  }
0x7a: {  	[sflag:s24] =	ssyncset.done $0x0  }
0x7b: {  	[sflag:s24] =	ssyncadd.s32 $0xFFFFF3C0  }
0x7c: {  	[spmem:s4] =	stream.indirect.scatter.add.f32 [tilespmem:s5], [sflag:$0x1], $0x1, s23, s25, $0xb8;
	[tilespmem:$0x97E0] =	vst v63  }
0x7d: {  	_ =	swait.ge [sflag:s24], $0xC40  }
0x7e: {  	[sflag:s24] =	ssyncset.done $0x0  }
0x7f: {  	[sflag:s24] =	ssyncadd.s32 $0xFFFFF3C0  }
0x80: {  	[bflag:$0x0] =	sbarrier.arrive $0xFFFF  }
0x81: {  	[tilespmem:s26], [sflag:$0x1] =	stream.linear.gather [hbm4b:s16+s5], $0xC40, $0x38;
	[tilespmem:$0x97E0] =	vst v63  }
0x82: {  	_ =	swait.ge [sflag:s24], $0xC40  }
0x83: {  	[sflag:s24] =	ssyncset.done $0x0  }
0x84: {  	s6 =	simm.s32 $0x1900;
	[sflag:s24] =	ssyncadd.s32 $0xFFFFF3C0  }
0x85: {  	[tilespmem:s6], [sflag:$0x1] =	stream.linear.gather [hbm4b:s17+s5], $0xC40, $0x38;
	[tilespmem:$0x97E0] =	vst v63  }
0x86: {  	_ =	swait.ge [sflag:s24], $0xC40  }
0x87: {  	[sflag:s24] =	ssyncset.done $0x0  }
0x88: {  	s6 =	simm.s32 $0x5780;
	[sflag:s24] =	ssyncadd.s32 $0xFFFFF3C0  }
0x89: {  	[tilespmem:s6], [sflag:$0x1] =	stream.indirect.gather [spmem:s1], $0x1, s26, s25, $0xb8;
	[tilespmem:$0x97E0] =	vst v63  }
0x8a: {  	_ =	swait.ge [sflag:s24], $0xC40  }
0x8b: {  	[sflag:s24] =	ssyncset.done $0x0  }
0x8c: {  	s6 =	simm.s32 $0x2580;
	[sflag:s24] =	ssyncadd.s32 $0xFFFFF3C0  }
0x8d: {  	[tilespmem:s6], [sflag:$0x1] =	stream.linear.gather [hbm4b:s18+s5], $0xC40, $0x38;
	[tilespmem:$0x97E0] =	vst v63  }
0x8e: {  	_ =	swait.ge [sflag:s24], $0xC40  }
0x8f: {  	[sflag:s24] =	ssyncset.done $0x0  }
0x90: {  	s6 =	simm.s32 $0x6400;
	[sflag:s24] =	ssyncadd.s32 $0xFFFFF3C0  }
0x91: {  	[tilespmem:s6], [sflag:$0x1] =	stream.indirect.gather [spmem:s2], $0x1, s26, s25, $0xb8;
	[tilespmem:$0x97E0] =	vst v63  }
0x92: {  	_ =	swait.ge [sflag:s24], $0xC40  }
0x93: {  	[sflag:s24] =	ssyncset.done $0x0  }
0x94: {  	s6 =	simm.s32 $0x3200;
	[sflag:s24] =	ssyncadd.s32 $0xFFFFF3C0  }
0x95: {  	[tilespmem:s6], [sflag:$0x1] =	stream.linear.gather [hbm4b:s19+s5], $0xC40, $0x38;
	[tilespmem:$0x97E0] =	vst v63  }
0x96: {  	_ =	swait.ge [sflag:s24], $0xC40  }
0x97: {  	[sflag:s24] =	ssyncset.done $0x0  }
0x98: {  	s6 =	simm.s32 $0x7080;
	[sflag:s24] =	ssyncadd.s32 $0xFFFFF3C0  }
0x99: {  	[tilespmem:s6], [sflag:$0x1] =	stream.indirect.gather [spmem:s3], $0x1, s26, s25, $0xb8;
	[tilespmem:$0x97E0] =	vst v63  }
0x9a: {  	_ =	swait.ge [sflag:s24], $0xC40  }
0x9b: {  	[sflag:s24] =	ssyncset.done $0x0  }
0x9c: {  	s6 =	simm.s32 $0x3E80;
	[sflag:s24] =	ssyncadd.s32 $0xFFFFF3C0  }
0x9d: {  	[tilespmem:s6], [sflag:$0x1] =	stream.linear.gather [hbm4b:s20+s5], $0xC40, $0x38;
	[tilespmem:$0x97E0] =	vst v63  }
0x9e: {  	_ =	swait.ge [sflag:s24], $0xC40  }
0x9f: {  	[sflag:s24] =	ssyncset.done $0x0  }
0xa0: {  	s6 =	simm.s32 $0x7D00;
	[sflag:s24] =	ssyncadd.s32 $0xFFFFF3C0  }
0xa1: {  	[tilespmem:s6], [sflag:$0x1] =	stream.indirect.gather [spmem:s4], $0x1, s26, s25, $0xb8;
	[tilespmem:$0x97E0] =	vst v63  }
0xa2: {  	_ =	swait.ge [sflag:s24], $0xC40  }
0xa3: {  	[sflag:s24] =	ssyncset.done $0x0  }
0xa4: {  	s30 =	simm.s32 $0x0;
	[sflag:s24] =	ssyncadd.s32 $0xFFFFF3C0  }
0xa5: {  	v0 =	vld [tilespmem:s30+$0x5780];
	_ =	sdelay $0x1  }
0xa6: {  	v1 =	vld [tilespmem:s30+$0x6400];
	_ =	sdelay $0x2  }
0xa7: {  	v2 =	vld [tilespmem:s30+$0x7080];
	v0 =	vadd.f32 $9.999999960e-13, v0;
	_ =	sdelay $0x1  }
0xa8: {  	v3 =	vld [tilespmem:s30+$0x7D00];
	v1 =	vadd.f32 $9.999999960e-13, v1;
	(erf) = vrcp.f32 v0  }
0xa9: {  	s29 =	simm.s32 $0x10  }
0xaa: {  	v0 =	vld [tilespmem:s29+$0x5780];
	(erf) = vrcp.f32 v1  }
0xab: {  	v2 =	vadd.f32 $9.999999960e-13, v2  }
0xac: {  	v1 =	vld [tilespmem:s29+$0x6400]  }
0xad: {  	v3 =	vadd.f32 $9.999999960e-13, v3;
	(erf) = vrcp.f32 v2;
	v2 =	vld [tilespmem:s29+$0x7080]  }
0xae: {  	v4 =	vld [tilespmem:s30+$0x1900]  }
0xaf: {  	v5 =	vld [tilespmem:s29+$0x7D00];
	(erf) = vrcp.f32 v3;
	v0 =	vadd.f32 $9.999999960e-13, v0  }
0xb0: {  	s28 =	simm.s32 $0x20;
	v3 =	vld [tilespmem:s30+$0x2580]  }
0xb1: {  	v6 =	vld [tilespmem:s28+$0x5780];
	v1 =	vadd.f32 $9.999999960e-13, v1;
	v8 =	vpop (erf);
	(erf) = vrcp.f32 v0  }
0xb2: {  	v7 =	vld [tilespmem:s30+$0x3200];
	v2 =	vadd.f32 $9.999999960e-13, v2  }
0xb3: {  	v9 =	vld [tilespmem:s28+$0x6400];
	v4 =	vmul.f32 v8, v4;
	v10 =	vpop (erf);
	(erf) = vrcp.f32 v1  }
0xb4: {  	v8 =	vld [tilespmem:s30+$0x3E80];
	(erf) = vrcp.f32 v2  }
0xb5: {  	v5 =	vadd.f32 $9.999999960e-13, v5;
	v0 =	vld [tilespmem:s28+$0x7080];
	v3 =	vmul.f32 v10, v3;
	v4 =	vadd.f32 $0.0e+00, v4  }
0xb6: {  	v6 =	vadd.f32 $9.999999960e-13, v6;
	v62 =	vpop (erf);
	v2 =	vld [tilespmem:s29+$0x1900]  }
0xb7: {  	v1 =	vld [tilespmem:s28+$0x7D00];
	v7 =	vmul.f32 v62, v7;
	(erf) = vrcp.f32 v5;
	v11 =	vadd.f32 v3, v4  }
0xb8: {  	s31 =	simm.s32 $0x30;
	v63 =	vpop (erf);
	(erf) = vrcp.f32 v6;
	v4 =	vld [tilespmem:s29+$0x2580]  }
0xb9: {  	s6 =	simm.s32 $0x100;
	v5 =	vadd.f32 $9.999999960e-13, v9;
	v3 =	vld [tilespmem:s31+$0x5780];
	v6 =	vadd.f32 v7, v11;
	v7 =	vmul.f32 v63, v8  }
.LBB2_2:
0xba: {  	p1 =	sne.s32 s6, $0x30C0;
	v0 =	vadd.f32 $9.999999960e-13, v0;
	v8 =	vld [tilespmem:s29+$0x3200];
	v9 =	vpop (erf)  }
0xbb: {  	v10 =	vld [tilespmem:s31+$0x6400];
	(erf) = vrcp.f32 v5;
	v2 =	vmul.f32 v9, v2;
	v5 =	vadd.f32 v7, v6  }
0xbc: {  	v6 =	vadd.f32 $9.999999960e-13, v1;
	(erf) = vrcp.f32 v0;
	v7 =	vld [tilespmem:s29+$0x3E80];
	v1 =	vpop (erf)  }
.Ltmp0:
0xbd: {  	v0 =	vld [tilespmem:s31+$0x7080];
	v13 =	vadd.f32 $0.0e+00, v2;
	v4 =	vmul.f32 v1, v4;
	v11 =	vpop (erf);
	v5 =	vmul.f32 $2.500000000e-01, v5;
	(pc) =	sbr.rel @p1 .LBB2_2-.Ltmp0, $4  }
0xbe: {  	v12 =	vadd.f32 $9.999999960e-13, v3;
	v2 =	vld [tilespmem:s28+$0x1900]  }
0xbf: {  	v1 =	vld [tilespmem:s31+$0x7D00];
	(erf) = vrcp.f32 v6;
	v6 =	vadd.f32 v4, v13;
	v8 =	vmul.f32 v11, v8;
	[tilespmem:s30+$0x8980] =	vst v5;
	s30 =	smov.u32 s29;
	s29 =	smov.u32 s28;
	s28 =	smov.u32 s31  }
0xc0: {  	s31 =	sshra.s32 s6, $0x2;
	v5 =	vadd.f32 $9.999999960e-13, v10;
	v4 =	vld [tilespmem:s29+$0x2580];
	v9 =	vpop (erf)  }
0xc1: {  	s6 =	sadd.s32 $0x40, s6;
	v3 =	vld [tilespmem:s31+$0x5780];
	(erf) = vrcp.f32 v12;
	v6 =	vadd.f32 v8, v6;
	v7 =	vmul.f32 v9, v7  }
0xc2: {  	v8 =	vld [tilespmem:s29+$0x3200];
	v9 =	vpop (erf)  }
0xc3: {  	v10 =	vld [tilespmem:s31+$0x6400];
	v2 =	vmul.f32 v9, v2  }
0xc4: {  	v0 =	vadd.f32 $9.999999960e-13, v0;
	v35 =	vld [tilespmem:s29+$0x3E80];
	v11 =	vpop (erf)  }
0xc5: {  	(erf) = vrcp.f32 v5;
	v2 =	vadd.f32 $0.0e+00, v2;
	v4 =	vmul.f32 v11, v4  }
0xc6: {  	v37 =	vld [tilespmem:s31+$0x7080];
	v36 =	vadd.f32 v7, v6;
	v1 =	vadd.f32 $9.999999960e-13, v1;
	(erf) = vrcp.f32 v0;
	v38 =	vpop (erf)  }
0xc7: {  	v3 =	vadd.f32 $9.999999960e-13, v3;
	v2 =	vadd.f32 v4, v2;
	v39 =	vmul.f32 v38, v8  }
0xc8: {  	v40 =	vld [tilespmem:s31+$0x7D00];
	v5 =	vmul.f32 $2.500000000e-01, v36;
	(erf) = vrcp.f32 v1;
	v41 =	vadd.f32 $9.999999960e-13, v10;
	v42 =	vpop (erf)  }
0xc9: {  	(erf) = vrcp.f32 v3;
	v2 =	vadd.f32 v39, v2;
	v44 =	vmul.f32 v42, v35;
	_ =	sdelay $0x1  }
0xca: {  	v43 =	vld [tilespmem:s28+$0x1900];
	[tilespmem:s30+$0x8980] =	vst v5;
	v0 =	vadd.f32 $9.999999960e-13, v37;
	(erf) = vrcp.f32 v41;
	v46 =	vadd.f32 v44, v2  }
0xcb: {  	v45 =	vld [tilespmem:s28+$0x2580]  }
0xcc: {  	v48 =	vadd.f32 $9.999999960e-13, v40;
	v47 =	vld [tilespmem:s28+$0x3200];
	(erf) = vrcp.f32 v0;
	v1 =	vmul.f32 $2.500000000e-01, v46  }
0xcd: {  	v51 =	vld [tilespmem:s31+$0x1900];
	v50 =	vpop (erf)  }
0xce: {  	v49 =	vld [tilespmem:s28+$0x3E80];
	v52 =	vpop (erf);
	(erf) = vrcp.f32 v48;
	[tilespmem:s29+$0x8980] =	vst v1  }
0xcf: {  	v53 =	vpop (erf);
	v54 =	vld [tilespmem:s31+$0x2580]  }
0xd0: {  	v55 =	vpop (erf)  }
0xd1: {  	v5 =	vmul.f32 v50, v43;
	v56 =	vld [tilespmem:s31+$0x3200];
	v57 =	vpop (erf)  }
0xd2: {  	v6 =	vmul.f32 v57, v51  }
0xd3: {  	v5 =	vadd.f32 $0.0e+00, v5;
	v4 =	vmul.f32 v52, v45;
	v58 =	vld [tilespmem:s31+$0x3E80];
	v59 =	vpop (erf)  }
0xd4: {  	v6 =	vadd.f32 $0.0e+00, v6;
	v3 =	vmul.f32 v59, v54  }
0xd5: {  	v4 =	vadd.f32 v4, v5;
	v1 =	vmul.f32 v53, v47;
	v60 =	vpop (erf)  }
0xd6: {  	v2 =	vmul.f32 v60, v56;
	v3 =	vadd.f32 v3, v6  }
0xd7: {  	v0 =	vmul.f32 v55, v49;
	v1 =	vadd.f32 v1, v4;
	v61 =	vpop (erf)  }
0xd8: {  	v62 =	vmul.f32 v61, v58;
	v2 =	vadd.f32 v2, v3  }
0xd9: {  	v0 =	vadd.f32 v0, v1  }
0xda: {  	v63 =	vadd.f32 v62, v2  }
0xdb: {  	v0 =	vmul.f32 $2.500000000e-01, v0  }
0xdc: {  	s0 =	sadd.s32 $0x1, s0;
	v1 =	vmul.f32 $2.500000000e-01, v63  }
0xdd: {  	p1 =	sne.s32 s0, s22;
	[tilespmem:s28+$0x8980] =	vst v0  }
.Ltmp1:
0xde: {  	s6 =	simm.s32 $0x8980;
	[tilespmem:s31+$0x8980] =	vst v1;
	(pc) =	sbr.rel @p1 .LBB2_1-.Ltmp1, $4  }
0xdf: {  	[hbm4b:s21+s5] =	stream.linear.scatter [tilespmem:s6], [sflag:$0x1], $0xC40, $0x38;
	[tilespmem:$0x97E0] =	vst v63  }
0xe0: {  	_ =	swait.ge [sflag:s24], $0xC40  }
0xe1: {  	[sflag:s24] =	ssyncset.done $0x0  }
0xe2: {  	[sflag:s24] =	ssyncadd.s32 $0xFFFFF3C0  }
0xe3: {  	_ =	sfence.sel $0x180000  }
0xe4: {  	[bflag:$0x0] =	sbarrier.arrive $0xFFFF  }
0xe5: {  	_ =	strace $0x90000047  }
0xe6: {  	[bflag:$0x2] =	sbarrier.arrive $0xFFFF  }
0xe7: {  	s0 =	rddreg [dreg:$0x5]  }
0xe8: {  	s0 =	sadd.s32 @!p0 $0x100000, s0  }
0xe9: {  	[sflag:s0] =	ssyncadd.tile.s32 @!p0 $0x1;
	_ =	shalt  }
.Lfunc_end2:
_tile_overlayer_lowered:
.L_overlay_start_2:
0xea: {  	(tag) =	ssettag $0x2  }
0xeb: {  	s0 =	rddreg [dreg:$0x0];
	s2 =	stileid.u32  }
0xec: {  	s1 =	rddreg [dreg:$0x1];
	p0 =	sne.s32 s2, $0x0  }
0xed: {  	s3 =	rddreg [dreg:$0x2];
	[bflag:$0x3] =	sbarrier.arrive $0xFFFF;
	s2 =	simm.s32 @!p0 $0x1C01  }
0xee: {  	[timem:s3], [sflag:s2] =	dma.local @!p0 [hbm:s0], s1  }
0xef: {  	s0 =	simm.s32 @!p0 $0x1  }
0xf0: {  	_ =	swait.ge @!p0 [sflag:s0], s1  }
0xf1: {  	s1 =	ssub.s32 @!p0 $0x0, s1;
	[sflag:s0] =	ssyncset.done @!p0 $0x0  }
0xf2: {  	[sflag:s0] =	ssyncadd.s32 @!p0 s1  }
0xf3: {  	[bflag:$0x3] =	sbarrier.arrive $0xFFFF  }
0xf4: {  	_ =	shalt  }

</sc_bundles>
